<compile_context>
chip_gen: v7x
topology: tpu7x:2x2x1
jax: 0.10.2.dev20260603
libtpu: 0.0.44.dev20260713+nightly
codegen_flags: <defaults>
</compile_context>

<pallas_src>
import functools

import jax
import jax.numpy as jnp
from jax import lax
from jax.experimental import pallas as pl
from jax.experimental.pallas import tpu as pltpu
from jax.experimental.pallas import tpu_sc as plsc

D = 64
SEQ = 200
LANES = 16
BBLK = 128
NBUF = 4


@jax.jit
def kernel(inputs, token_table, pos_table):
    B, S = inputs.shape
    assert S == SEQ and token_table.shape[1] == D
    idx_t = inputs.T

    info = plsc.get_sparse_core_info()
    nw = info.num_cores * info.num_subcores
    assert B == nw * BBLK

    mesh = plsc.VectorSubcoreMesh(core_axis_name="c", subcore_axis_name="s")

    @functools.partial(
        pl.kernel,
        mesh=mesh,
        out_type=jax.ShapeDtypeStruct((SEQ, D // 8, B // BBLK, 8, BBLK),
                                      jnp.float32),
        compiler_params=pltpu.CompilerParams(use_tc_tiling_on_sc=False,
                                             needs_layout_passes=False),
        scratch_types=[
            pltpu.VMEM((SEQ, BBLK), jnp.int32),
            pltpu.VMEM((SEQ, D), jnp.float32),
            pltpu.VMEM((NBUF, BBLK, D), jnp.float32),
            pltpu.VMEM((NBUF, D // 8, 8, BBLK + 1), jnp.float32),
        ] + [pltpu.SemaphoreType.DMA] * (2 * NBUF),
    )
    def sc_embed(idx_hbm, table_hbm, pos_hbm, out_hbm,
                 idx_v, pos_v, rows_v, patch_v, *sems):
        gsem = sems[:NBUF]
        ssem = sems[NBUF:]
        wid = lax.axis_index("s") * info.num_cores + lax.axis_index("c")
        pltpu.sync_copy(idx_hbm.at[:, pl.ds(wid * BBLK, BBLK)], idx_v)
        pltpu.sync_copy(pos_hbm, pos_v)

        iota = jax.lax.iota(jnp.int32, LANES)
        idx_dt = [(iota + 16 * j) >> 3 for j in range(D // LANES)]
        idx_d8 = [(iota + 16 * j) & 7 for j in range(D // LANES)]

        def gather_copy(s, slot):
            return pltpu.make_async_copy(
                table_hbm.at[idx_v.at[s]], rows_v.at[slot], gsem[slot])

        def store_copies(s, slot):
            return [pltpu.make_async_copy(
                patch_v.at[slot].at[:, :, pl.ds(0, BBLK)],
                out_hbm.at[s, :, wid], ssem[slot])]

        for g0 in range(NBUF):
            gather_copy(g0, g0).start()

        def quad(i, carry):
            for k in range(NBUF):
                s = i * NBUF + k
                rows = rows_v.at[k]
                patch = patch_v.at[k]
                gather_copy(s, k).wait()

                @pl.when(s >= NBUF)
                def _():
                    for cp in store_copies(0, k):
                        cp.wait()

                pv = [pos_v[s, pl.ds(LANES * j, LANES)]
                      for j in range(D // LANES)]

                @plsc.parallel_loop(0, BBLK, unroll=4)
                def _(b):
                    ib = jnp.full((LANES,), b, jnp.int32)
                    for j in range(D // LANES):
                        x = rows[b, pl.ds(LANES * j, LANES)] + pv[j]
                        plsc.store_scatter(
                            patch, [idx_dt[j], idx_d8[j], ib], x)

                @pl.when(s + NBUF < SEQ)
                def _():
                    gather_copy(s + NBUF, k).start()

                for cp in store_copies(s, k):
                    cp.start()
            return carry

        lax.fori_loop(0, SEQ // NBUF, quad, 0)
        for k in range(NBUF):
            for cp in store_copies(0, k):
                cp.wait()

    out5 = sc_embed(idx_t, token_table, pos_table)
    return out5.transpose(2, 4, 0, 1, 3).reshape(B, SEQ, D)

# --- scband reference (transcript-rebuilt; emitter-appended) ---
"""Pipeline reference for scband-positional-embedding-9242769621131 (READ-ONLY COPY).

The authoritative reference and input builder live on the scoring server;
editing this copy changes nothing except your own understanding.
"""

import jax, jax.numpy as jnp
import numpy as np

VOCAB = 100000
SEQ_LEN = 200
EMBED_DIM = 64
BATCH = 4096

def setup_inputs(seed: int = 0) -> dict:
    key = jax.random.key(seed)
    k1, k2, k3 = jax.random.split(key, 3)
    inputs = jax.random.randint(k1, (BATCH, SEQ_LEN), 0, VOCAB, dtype=jnp.int64 if jax.config.jax_enable_x64 else jnp.int32)
    token_table = jax.random.normal(k2, (VOCAB, EMBED_DIM), dtype=jnp.float32) * 0.02
    pos_table = jax.random.normal(k3, (SEQ_LEN, EMBED_DIM), dtype=jnp.float32) * 0.02
    return {"inputs": inputs, "token_table": token_table, "pos_table": pos_table}

def reference(inputs, token_table, pos_table):
    length = inputs.shape[-1]
    positions = jnp.arange(0, length)
    embedded_tokens = jnp.take(token_table, inputs, axis=0)
    embedded_positions = jnp.take(pos_table, positions, axis=0)
    return embedded_tokens + embedded_positions

if __name__ == "__main__":
    import jax
    _d = setup_inputs()
    print(jax.jit(kernel)(*tuple(_d.values())))

</pallas_src>

<mosaic_0001>
#map = affine_map<(d0, d1) -> (0, 0)>
#map1 = affine_map<(d0, d1) -> (0, 0, 0, 0, 0)>
module attributes {stable_mosaic.version = 14 : i64} {
  func.func @sc_embed(%arg0: i32, %arg1: i32, %arg2: memref<200x4096xi32, #tpu.memory_space<hbm>>, %arg3: memref<100000x64xf32, #tpu.memory_space<hbm>>, %arg4: memref<200x64xf32, #tpu.memory_space<hbm>>, %arg5: memref<200x8x32x8x128xf32, #tpu.memory_space<hbm>>, %arg6: memref<200x128xi32, #tpu.memory_space<vmem>>, %arg7: memref<200x64xf32, #tpu.memory_space<vmem>>, %arg8: memref<4x128x64xf32, #tpu.memory_space<vmem>>, %arg9: memref<4x8x8x129xf32, #tpu.memory_space<vmem>>, %arg10: memref<!tpu.dma_semaphore, #tpu.memory_space<semaphore_mem>>, %arg11: memref<!tpu.dma_semaphore, #tpu.memory_space<semaphore_mem>>, %arg12: memref<!tpu.dma_semaphore, #tpu.memory_space<semaphore_mem>>, %arg13: memref<!tpu.dma_semaphore, #tpu.memory_space<semaphore_mem>>, %arg14: memref<!tpu.dma_semaphore, #tpu.memory_space<semaphore_mem>>, %arg15: memref<!tpu.dma_semaphore, #tpu.memory_space<semaphore_mem>>, %arg16: memref<!tpu.dma_semaphore, #tpu.memory_space<semaphore_mem>>, %arg17: memref<!tpu.dma_semaphore, #tpu.memory_space<semaphore_mem>>) attributes {dimension_semantics = [#tpu.dimension_semantics<core_parallel>, #tpu.dimension_semantics<subcore_parallel>], iteration_bounds = array<i64: 2, 16>, scalar_prefetch = 0 : i64, scratch_operands = 12 : i64, tpu.core_type = #tpu.core_type<sc_vector_subcore>, window_params = [{transform_indices = #map}, {transform_indices = #map}, {transform_indices = #map}, {transform_indices = #map1}]} {
    %mul3A = arith.constant 2 : i32
    %mul3A_0 = arith.muli %arg1, %mul3A : i32
    %add3A = arith.addi %mul3A_0, %arg0 : i32
    %mul3A_1 = arith.constant 128 : i32
    %mul3A_2 = arith.muli %add3A, %mul3A_1 : i32
    "tpu.region"() ({
      %run_scoped3A = tpu.sem_alloc : memref<!tpu.dma_semaphore, #tpu.memory_space<semaphore_mem>>
      %dma_start3A_220 = arith.constant 0 : i32
      %dma_start3A_221 = tpu.memref_slice %arg2[%dma_start3A_220, %mul3A_2] : memref<200x4096xi32, #tpu.memory_space<hbm>> -> memref<200x128xi32, #tpu.memory_space<hbm>>
      %dma_start3A_222 = arith.constant 0 : i32
      %dma_start3A_223 = tpu.memref_slice %arg2[%dma_start3A_222, %mul3A_2] : memref<200x4096xi32, #tpu.memory_space<hbm>> -> memref<200x128xi32, #tpu.memory_space<hbm>>
      tpu.enqueue_dma source(%dma_start3A_223 : memref<200x128xi32, #tpu.memory_space<hbm>>) target(%arg6 : memref<200x128xi32, #tpu.memory_space<vmem>>) target_semaphore(%run_scoped3A : memref<!tpu.dma_semaphore, #tpu.memory_space<semaphore_mem>>)
      %dma_wait3A_224 = arith.constant 0 : i32
      %dma_wait3A_225 = tpu.memref_slice %arg2[%dma_wait3A_224, %mul3A_2] : memref<200x4096xi32, #tpu.memory_space<hbm>> -> memref<200x128xi32, #tpu.memory_space<hbm>>
      %dma_wait3A_226 = arith.constant 0 : i32
      %dma_wait3A_227 = tpu.memref_slice %arg2[%dma_wait3A_226, %mul3A_2] : memref<200x4096xi32, #tpu.memory_space<hbm>> -> memref<200x128xi32, #tpu.memory_space<hbm>>
      tpu.wait_dma2 semaphore(%run_scoped3A : memref<!tpu.dma_semaphore, #tpu.memory_space<semaphore_mem>>) src(%dma_wait3A_227 : memref<200x128xi32, #tpu.memory_space<hbm>>) dst(%arg6 : memref<200x128xi32, #tpu.memory_space<vmem>>)
      tpu.yield
    }) : () -> ()
    "tpu.region"() ({
      %run_scoped3A = tpu.sem_alloc : memref<!tpu.dma_semaphore, #tpu.memory_space<semaphore_mem>>
      tpu.enqueue_dma source(%arg4 : memref<200x64xf32, #tpu.memory_space<hbm>>) target(%arg7 : memref<200x64xf32, #tpu.memory_space<vmem>>) target_semaphore(%run_scoped3A : memref<!tpu.dma_semaphore, #tpu.memory_space<semaphore_mem>>)
      tpu.wait_dma2 semaphore(%run_scoped3A : memref<!tpu.dma_semaphore, #tpu.memory_space<semaphore_mem>>) src(%arg4 : memref<200x64xf32, #tpu.memory_space<hbm>>) dst(%arg7 : memref<200x64xf32, #tpu.memory_space<vmem>>)
      tpu.yield
    }) : () -> ()
    %iota3A = tpu.iota {dimensions = array<i32: 0>} : vector<16xi32>
    %add3A_3 = arith.constant 0 : i32
    %add3A_4 = vector.broadcast %add3A_3 : i32 to vector<16xi32>
    %add3A_5 = arith.addi %iota3A, %add3A_4 : vector<16xi32>
    %shift_right_arithmetic3A = arith.constant 3 : i32
    %shift_right_arithmetic3A_6 = vector.broadcast %shift_right_arithmetic3A : i32 to vector<16xi32>
    %shift_right_arithmetic3A_7 = arith.shrsi %add3A_5, %shift_right_arithmetic3A_6 : vector<16xi32>
    %add3A_8 = arith.constant 16 : i32
    %add3A_9 = vector.broadcast %add3A_8 : i32 to vector<16xi32>
    %add3A_10 = arith.addi %iota3A, %add3A_9 : vector<16xi32>
    %shift_right_arithmetic3A_11 = arith.constant 3 : i32
    %shift_right_arithmetic3A_12 = vector.broadcast %shift_right_arithmetic3A_11 : i32 to vector<16xi32>
    %shift_right_arithmetic3A_13 = arith.shrsi %add3A_10, %shift_right_arithmetic3A_12 : vector<16xi32>
    %add3A_14 = arith.constant 32 : i32
    %add3A_15 = vector.broadcast %add3A_14 : i32 to vector<16xi32>
    %add3A_16 = arith.addi %iota3A, %add3A_15 : vector<16xi32>
    %shift_right_arithmetic3A_17 = arith.constant 3 : i32
    %shift_right_arithmetic3A_18 = vector.broadcast %shift_right_arithmetic3A_17 : i32 to vector<16xi32>
    %shift_right_arithmetic3A_19 = arith.shrsi %add3A_16, %shift_right_arithmetic3A_18 : vector<16xi32>
    %add3A_20 = arith.constant 48 : i32
    %add3A_21 = vector.broadcast %add3A_20 : i32 to vector<16xi32>
    %add3A_22 = arith.addi %iota3A, %add3A_21 : vector<16xi32>
    %shift_right_arithmetic3A_23 = arith.constant 3 : i32
    %shift_right_arithmetic3A_24 = vector.broadcast %shift_right_arithmetic3A_23 : i32 to vector<16xi32>
    %shift_right_arithmetic3A_25 = arith.shrsi %add3A_22, %shift_right_arithmetic3A_24 : vector<16xi32>
    %add3A_26 = arith.constant 0 : i32
    %add3A_27 = vector.broadcast %add3A_26 : i32 to vector<16xi32>
    %add3A_28 = arith.addi %iota3A, %add3A_27 : vector<16xi32>
    %and3A = arith.constant 7 : i32
    %and3A_29 = vector.broadcast %and3A : i32 to vector<16xi32>
    %and3A_30 = arith.andi %add3A_28, %and3A_29 : vector<16xi32>
    %add3A_31 = arith.constant 16 : i32
    %add3A_32 = vector.broadcast %add3A_31 : i32 to vector<16xi32>
    %add3A_33 = arith.addi %iota3A, %add3A_32 : vector<16xi32>
    %and3A_34 = arith.constant 7 : i32
    %and3A_35 = vector.broadcast %and3A_34 : i32 to vector<16xi32>
    %and3A_36 = arith.andi %add3A_33, %and3A_35 : vector<16xi32>
    %add3A_37 = arith.constant 32 : i32
    %add3A_38 = vector.broadcast %add3A_37 : i32 to vector<16xi32>
    %add3A_39 = arith.addi %iota3A, %add3A_38 : vector<16xi32>
    %and3A_40 = arith.constant 7 : i32
    %and3A_41 = vector.broadcast %and3A_40 : i32 to vector<16xi32>
    %and3A_42 = arith.andi %add3A_39, %and3A_41 : vector<16xi32>
    %add3A_43 = arith.constant 48 : i32
    %add3A_44 = vector.broadcast %add3A_43 : i32 to vector<16xi32>
    %add3A_45 = arith.addi %iota3A, %add3A_44 : vector<16xi32>
    %and3A_46 = arith.constant 7 : i32
    %and3A_47 = vector.broadcast %and3A_46 : i32 to vector<16xi32>
    %and3A_48 = arith.andi %add3A_45, %and3A_47 : vector<16xi32>
    %dma_start3A = arith.constant 0 : i32
    %dma_start3A_49 = arith.constant 0 : i32
    %dma_start3A_50 = arith.constant 0 : i32
    %dma_start3A_51 = arith.constant 0 : i32
    %dma_start3A_52 = tpu.memref_slice %arg8[%dma_start3A_49, %dma_start3A_50, %dma_start3A_51] : memref<4x128x64xf32, #tpu.memory_space<vmem>> -> memref<1x128x64xf32, #tpu.memory_space<vmem>>
    %dma_start3A_53 = tpu.memref_squeeze %dma_start3A_52 : memref<1x128x64xf32, #tpu.memory_space<vmem>> -> memref<128x64xf32, #tpu.memory_space<vmem>>
    %dma_start3A_54 = arith.constant 0 : i32
    %dma_start3A_55 = tpu.memref_slice %arg6[%dma_start3A, %dma_start3A_54] : memref<200x128xi32, #tpu.memory_space<vmem>> -> memref<1x128xi32, #tpu.memory_space<vmem>>
    %dma_start3A_56 = tpu.memref_squeeze %dma_start3A_55 : memref<1x128xi32, #tpu.memory_space<vmem>> -> memref<128xi32, #tpu.memory_space<vmem>>
    %dma_start3A_57 = arith.constant 0 : i32
    %dma_start3A_58 = arith.constant 0 : i32
    %dma_start3A_59 = tpu.memref_slice %arg3[%dma_start3A_57, %dma_start3A_58] : memref<100000x64xf32, #tpu.memory_space<hbm>> -> memref<100000x64xf32, #tpu.memory_space<hbm>>
    tpu.enqueue_indirect_dma source(%dma_start3A_59 : memref<100000x64xf32, #tpu.memory_space<hbm>>) target(%dma_start3A_53 : memref<128x64xf32, #tpu.memory_space<vmem>>) offsets(%dma_start3A_56 : memref<128xi32, #tpu.memory_space<vmem>>) semaphore(%arg10 : memref<!tpu.dma_semaphore, #tpu.memory_space<semaphore_mem>>)
    %dma_start3A_60 = arith.constant 1 : i32
    %dma_start3A_61 = arith.constant 1 : i32
    %dma_start3A_62 = arith.constant 0 : i32
    %dma_start3A_63 = arith.constant 0 : i32
    %dma_start3A_64 = tpu.memref_slice %arg8[%dma_start3A_61, %dma_start3A_62, %dma_start3A_63] : memref<4x128x64xf32, #tpu.memory_space<vmem>> -> memref<1x128x64xf32, #tpu.memory_space<vmem>>
    %dma_start3A_65 = tpu.memref_squeeze %dma_start3A_64 : memref<1x128x64xf32, #tpu.memory_space<vmem>> -> memref<128x64xf32, #tpu.memory_space<vmem>>
    %dma_start3A_66 = arith.constant 0 : i32
    %dma_start3A_67 = tpu.memref_slice %arg6[%dma_start3A_60, %dma_start3A_66] : memref<200x128xi32, #tpu.memory_space<vmem>> -> memref<1x128xi32, #tpu.memory_space<vmem>>
    %dma_start3A_68 = tpu.memref_squeeze %dma_start3A_67 : memref<1x128xi32, #tpu.memory_space<vmem>> -> memref<128xi32, #tpu.memory_space<vmem>>
    %dma_start3A_69 = arith.constant 0 : i32
    %dma_start3A_70 = arith.constant 0 : i32
    %dma_start3A_71 = tpu.memref_slice %arg3[%dma_start3A_69, %dma_start3A_70] : memref<100000x64xf32, #tpu.memory_space<hbm>> -> memref<100000x64xf32, #tpu.memory_space<hbm>>
    tpu.enqueue_indirect_dma source(%dma_start3A_71 : memref<100000x64xf32, #tpu.memory_space<hbm>>) target(%dma_start3A_65 : memref<128x64xf32, #tpu.memory_space<vmem>>) offsets(%dma_start3A_68 : memref<128xi32, #tpu.memory_space<vmem>>) semaphore(%arg11 : memref<!tpu.dma_semaphore, #tpu.memory_space<semaphore_mem>>)
    %dma_start3A_72 = arith.constant 2 : i32
    %dma_start3A_73 = arith.constant 2 : i32
    %dma_start3A_74 = arith.constant 0 : i32
    %dma_start3A_75 = arith.constant 0 : i32
    %dma_start3A_76 = tpu.memref_slice %arg8[%dma_start3A_73, %dma_start3A_74, %dma_start3A_75] : memref<4x128x64xf32, #tpu.memory_space<vmem>> -> memref<1x128x64xf32, #tpu.memory_space<vmem>>
    %dma_start3A_77 = tpu.memref_squeeze %dma_start3A_76 : memref<1x128x64xf32, #tpu.memory_space<vmem>> -> memref<128x64xf32, #tpu.memory_space<vmem>>
    %dma_start3A_78 = arith.constant 0 : i32
    %dma_start3A_79 = tpu.memref_slice %arg6[%dma_start3A_72, %dma_start3A_78] : memref<200x128xi32, #tpu.memory_space<vmem>> -> memref<1x128xi32, #tpu.memory_space<vmem>>
    %dma_start3A_80 = tpu.memref_squeeze %dma_start3A_79 : memref<1x128xi32, #tpu.memory_space<vmem>> -> memref<128xi32, #tpu.memory_space<vmem>>
    %dma_start3A_81 = arith.constant 0 : i32
    %dma_start3A_82 = arith.constant 0 : i32
    %dma_start3A_83 = tpu.memref_slice %arg3[%dma_start3A_81, %dma_start3A_82] : memref<100000x64xf32, #tpu.memory_space<hbm>> -> memref<100000x64xf32, #tpu.memory_space<hbm>>
    tpu.enqueue_indirect_dma source(%dma_start3A_83 : memref<100000x64xf32, #tpu.memory_space<hbm>>) target(%dma_start3A_77 : memref<128x64xf32, #tpu.memory_space<vmem>>) offsets(%dma_start3A_80 : memref<128xi32, #tpu.memory_space<vmem>>) semaphore(%arg12 : memref<!tpu.dma_semaphore, #tpu.memory_space<semaphore_mem>>)
    %dma_start3A_84 = arith.constant 3 : i32
    %dma_start3A_85 = arith.constant 3 : i32
    %dma_start3A_86 = arith.constant 0 : i32
    %dma_start3A_87 = arith.constant 0 : i32
    %dma_start3A_88 = tpu.memref_slice %arg8[%dma_start3A_85, %dma_start3A_86, %dma_start3A_87] : memref<4x128x64xf32, #tpu.memory_space<vmem>> -> memref<1x128x64xf32, #tpu.memory_space<vmem>>
    %dma_start3A_89 = tpu.memref_squeeze %dma_start3A_88 : memref<1x128x64xf32, #tpu.memory_space<vmem>> -> memref<128x64xf32, #tpu.memory_space<vmem>>
    %dma_start3A_90 = arith.constant 0 : i32
    %dma_start3A_91 = tpu.memref_slice %arg6[%dma_start3A_84, %dma_start3A_90] : memref<200x128xi32, #tpu.memory_space<vmem>> -> memref<1x128xi32, #tpu.memory_space<vmem>>
    %dma_start3A_92 = tpu.memref_squeeze %dma_start3A_91 : memref<1x128xi32, #tpu.memory_space<vmem>> -> memref<128xi32, #tpu.memory_space<vmem>>
    %dma_start3A_93 = arith.constant 0 : i32
    %dma_start3A_94 = arith.constant 0 : i32
    %dma_start3A_95 = tpu.memref_slice %arg3[%dma_start3A_93, %dma_start3A_94] : memref<100000x64xf32, #tpu.memory_space<hbm>> -> memref<100000x64xf32, #tpu.memory_space<hbm>>
    tpu.enqueue_indirect_dma source(%dma_start3A_95 : memref<100000x64xf32, #tpu.memory_space<hbm>>) target(%dma_start3A_89 : memref<128x64xf32, #tpu.memory_space<vmem>>) offsets(%dma_start3A_92 : memref<128xi32, #tpu.memory_space<vmem>>) semaphore(%arg13 : memref<!tpu.dma_semaphore, #tpu.memory_space<semaphore_mem>>)
    %scan3A = arith.constant 0 : i32
    %scan3A_96 = arith.constant 0 : i32
    %scan3A_97 = arith.constant 50 : i32
    %scan3A_98 = arith.addi %scan3A_96, %scan3A_97 : i32
    %scan3A_99 = arith.constant 1 : i32
    scf.for %scan3A_220 = %scan3A_96 to %scan3A_98 step %scan3A_99  : i32 {
      %mul3A_221 = arith.constant 4 : i32
      %mul3A_222 = arith.muli %scan3A_220, %mul3A_221 : i32
      %add3A_223 = arith.constant 0 : i32
      %add3A_224 = arith.addi %mul3A_222, %add3A_223 : i32
      %dma_wait3A_225 = arith.constant 0 : i32
      %dma_wait3A_226 = arith.constant 0 : i32
      %dma_wait3A_227 = arith.constant 0 : i32
      %dma_wait3A_228 = tpu.memref_slice %arg8[%dma_wait3A_225, %dma_wait3A_226, %dma_wait3A_227] : memref<4x128x64xf32, #tpu.memory_space<vmem>> -> memref<1x128x64xf32, #tpu.memory_space<vmem>>
      %dma_wait3A_229 = tpu.memref_squeeze %dma_wait3A_228 : memref<1x128x64xf32, #tpu.memory_space<vmem>> -> memref<128x64xf32, #tpu.memory_space<vmem>>
      %dma_wait3A_230 = arith.constant 0 : i32
      %dma_wait3A_231 = tpu.memref_slice %arg6[%add3A_224, %dma_wait3A_230] : memref<200x128xi32, #tpu.memory_space<vmem>> -> memref<1x128xi32, #tpu.memory_space<vmem>>
      %dma_wait3A_232 = tpu.memref_squeeze %dma_wait3A_231 : memref<1x128xi32, #tpu.memory_space<vmem>> -> memref<128xi32, #tpu.memory_space<vmem>>
      %dma_wait3A_233 = arith.constant 0 : i32
      %dma_wait3A_234 = arith.constant 0 : i32
      %dma_wait3A_235 = tpu.memref_slice %arg3[%dma_wait3A_233, %dma_wait3A_234] : memref<100000x64xf32, #tpu.memory_space<hbm>> -> memref<100000x64xf32, #tpu.memory_space<hbm>>
      tpu.wait_indirect_dma semaphore(%arg10 : memref<!tpu.dma_semaphore, #tpu.memory_space<semaphore_mem>>) src(%dma_wait3A_235 : memref<100000x64xf32, #tpu.memory_space<hbm>>) dst(%dma_wait3A_229 : memref<128x64xf32, #tpu.memory_space<vmem>>)
      %ge3A = arith.constant 4 : i32
      %ge3A_236 = arith.cmpi sge, %add3A_224, %ge3A : i32
      %convert_element_type3A = arith.extui %ge3A_236 : i1 to i32
      %cond3A = arith.constant 0 : i32
      %cond3A_237 = arith.cmpi ne, %convert_element_type3A, %cond3A : i32
      scf.if %cond3A_237 {
        %dma_wait3A_507 = arith.constant 0 : i32
        %dma_wait3A_508 = arith.constant 0 : i32
        %dma_wait3A_509 = arith.constant 0 : i32
        %dma_wait3A_510 = arith.constant 0 : i32
        %dma_wait3A_511 = arith.constant 0 : i32
        %dma_wait3A_512 = tpu.memref_slice %arg9[%dma_wait3A_507, %dma_wait3A_509, %dma_wait3A_510, %dma_wait3A_511] : memref<4x8x8x129xf32, #tpu.memory_space<vmem>> -> memref<1x8x8x129xf32, #tpu.memory_space<vmem>>
        %dma_wait3A_513 = tpu.memref_squeeze %dma_wait3A_512 : memref<1x8x8x129xf32, #tpu.memory_space<vmem>> -> memref<8x8x129xf32, #tpu.memory_space<vmem>>
        %dma_wait3A_514 = arith.constant 0 : i32
        %dma_wait3A_515 = arith.constant 0 : i32
        %dma_wait3A_516 = arith.constant 0 : i32
        %dma_wait3A_517 = tpu.memref_slice %dma_wait3A_513[%dma_wait3A_514, %dma_wait3A_515, %dma_wait3A_516] : memref<8x8x129xf32, #tpu.memory_space<vmem>> -> memref<8x8x128xf32, #tpu.memory_space<vmem>>
        %dma_wait3A_518 = arith.constant 0 : i32
        %dma_wait3A_519 = arith.constant 0 : i32
        %dma_wait3A_520 = arith.constant 0 : i32
        %dma_wait3A_521 = tpu.memref_slice %arg5[%dma_wait3A_508, %dma_wait3A_518, %add3A, %dma_wait3A_519, %dma_wait3A_520] : memref<200x8x32x8x128xf32, #tpu.memory_space<hbm>> -> memref<1x8x1x8x128xf32, #tpu.memory_space<hbm>>
        %dma_wait3A_522 = tpu.memref_squeeze %dma_wait3A_521 : memref<1x8x1x8x128xf32, #tpu.memory_space<hbm>> -> memref<8x8x128xf32, #tpu.memory_space<hbm>>
        %dma_wait3A_523 = arith.constant 0 : i32
        %dma_wait3A_524 = arith.constant 0 : i32
        %dma_wait3A_525 = arith.constant 0 : i32
        %dma_wait3A_526 = tpu.memref_slice %arg5[%dma_wait3A_508, %dma_wait3A_523, %add3A, %dma_wait3A_524, %dma_wait3A_525] : memref<200x8x32x8x128xf32, #tpu.memory_space<hbm>> -> memref<1x8x1x8x128xf32, #tpu.memory_space<hbm>>
        %dma_wait3A_527 = tpu.memref_squeeze %dma_wait3A_526 : memref<1x8x1x8x128xf32, #tpu.memory_space<hbm>> -> memref<8x8x128xf32, #tpu.memory_space<hbm>>
        %dma_wait3A_528 = arith.constant 0 : i32
        %dma_wait3A_529 = arith.constant 0 : i32
        %dma_wait3A_530 = arith.constant 0 : i32
        %dma_wait3A_531 = tpu.memref_slice %arg9[%dma_wait3A_507, %dma_wait3A_528, %dma_wait3A_529, %dma_wait3A_530] : memref<4x8x8x129xf32, #tpu.memory_space<vmem>> -> memref<1x8x8x129xf32, #tpu.memory_space<vmem>>
        %dma_wait3A_532 = tpu.memref_squeeze %dma_wait3A_531 : memref<1x8x8x129xf32, #tpu.memory_space<vmem>> -> memref<8x8x129xf32, #tpu.memory_space<vmem>>
        %dma_wait3A_533 = arith.constant 0 : i32
        %dma_wait3A_534 = arith.constant 0 : i32
        %dma_wait3A_535 = arith.constant 0 : i32
        %dma_wait3A_536 = tpu.memref_slice %dma_wait3A_532[%dma_wait3A_533, %dma_wait3A_534, %dma_wait3A_535] : memref<8x8x129xf32, #tpu.memory_space<vmem>> -> memref<8x8x128xf32, #tpu.memory_space<vmem>>
        tpu.wait_dma2 semaphore(%arg14 : memref<!tpu.dma_semaphore, #tpu.memory_space<semaphore_mem>>) src(%dma_wait3A_536 : memref<8x8x128xf32, #tpu.memory_space<vmem>>) dst(%dma_wait3A_527 : memref<8x8x128xf32, #tpu.memory_space<hbm>>)
      } else {
      }
      %get3A = arith.index_cast %add3A_224 : i32 to index
      %get3A_238 = arith.constant 0 : index
      %get3A_239 = tpu.vector_load %arg7[%get3A, %get3A_238] {strides = array<i32>} : memref<200x64xf32, #tpu.memory_space<vmem>>, vector<16xf32>,
      %get3A_240 = arith.index_cast %add3A_224 : i32 to index
      %get3A_241 = arith.constant 16 : index
      %get3A_242 = tpu.vector_load %arg7[%get3A_240, %get3A_241] {strides = array<i32>} : memref<200x64xf32, #tpu.memory_space<vmem>>, vector<16xf32>,
      %get3A_243 = arith.index_cast %add3A_224 : i32 to index
      %get3A_244 = arith.constant 32 : index
      %get3A_245 = tpu.vector_load %arg7[%get3A_243, %get3A_244] {strides = array<i32>} : memref<200x64xf32, #tpu.memory_space<vmem>>, vector<16xf32>,
      %get3A_246 = arith.index_cast %add3A_224 : i32 to index
      %get3A_247 = arith.constant 48 : index
      %get3A_248 = tpu.vector_load %arg7[%get3A_246, %get3A_247] {strides = array<i32>} : memref<200x64xf32, #tpu.memory_space<vmem>>, vector<16xf32>,
      %parallel_loop3A = arith.constant 0 : i32
      %parallel_loop3A_249 = arith.constant 128 : i32
      %parallel_loop3A_250 = arith.constant 1 : i32
      %parallel_loop3A_251 = arith.constant 0 : i32
      %parallel_loop3A_252 = arith.constant 0 : i32
      scf.for %parallel_loop3A_507 = %parallel_loop3A to %parallel_loop3A_249 step %parallel_loop3A_250  : i32 {
        %parallel_loop3A_508 = vector.broadcast %parallel_loop3A_507 : i32 to vector<16xi32>
        %parallel_loop3A_509 = arith.constant 0 : i32
        %parallel_loop3A_510 = arith.constant 0 : i32
        %parallel_loop3A_511 = tpu.memref_slice %arg8[%parallel_loop3A_251, %parallel_loop3A_509, %parallel_loop3A_510] : memref<4x128x64xf32, #tpu.memory_space<vmem>> -> memref<1x128x64xf32, #tpu.memory_space<vmem>>
        %parallel_loop3A_512 = tpu.memref_squeeze %parallel_loop3A_511 : memref<1x128x64xf32, #tpu.memory_space<vmem>> -> memref<128x64xf32, #tpu.memory_space<vmem>>
        %parallel_loop3A_513 = arith.index_cast %parallel_loop3A_507 : i32 to index
        %parallel_loop3A_514 = arith.constant 0 : index
        %parallel_loop3A_515 = tpu.vector_load %parallel_loop3A_512[%parallel_loop3A_513, %parallel_loop3A_514] {strides = array<i32>} : memref<128x64xf32, #tpu.memory_space<vmem>>, vector<16xf32>,
        %parallel_loop3A_516 = arith.addf %parallel_loop3A_515, %get3A_239 : vector<16xf32>
        %parallel_loop3A_517 = arith.constant 0 : i32
        %parallel_loop3A_518 = arith.constant 0 : i32
        %parallel_loop3A_519 = arith.constant 0 : i32
        %parallel_loop3A_520 = tpu.memref_slice %arg9[%parallel_loop3A_252, %parallel_loop3A_517, %parallel_loop3A_518, %parallel_loop3A_519] : memref<4x8x8x129xf32, #tpu.memory_space<vmem>> -> memref<1x8x8x129xf32, #tpu.memory_space<vmem>>
        %parallel_loop3A_521 = tpu.memref_squeeze %parallel_loop3A_520 : memref<1x8x8x129xf32, #tpu.memory_space<vmem>> -> memref<8x8x129xf32, #tpu.memory_space<vmem>>
        tpu.vector_store_idx %parallel_loop3A_521[%shift_right_arithmetic3A_7, %and3A_30, %parallel_loop3A_508], %parallel_loop3A_516 : memref<8x8x129xf32, #tpu.memory_space<vmem>>[vector<16xi32>, vector<16xi32>, vector<16xi32>], vector<16xf32>,
        %parallel_loop3A_522 = arith.constant 0 : i32
        %parallel_loop3A_523 = arith.constant 0 : i32
        %parallel_loop3A_524 = tpu.memref_slice %arg8[%parallel_loop3A_251, %parallel_loop3A_522, %parallel_loop3A_523] : memref<4x128x64xf32, #tpu.memory_space<vmem>> -> memref<1x128x64xf32, #tpu.memory_space<vmem>>
        %parallel_loop3A_525 = tpu.memref_squeeze %parallel_loop3A_524 : memref<1x128x64xf32, #tpu.memory_space<vmem>> -> memref<128x64xf32, #tpu.memory_space<vmem>>
        %parallel_loop3A_526 = arith.index_cast %parallel_loop3A_507 : i32 to index
        %parallel_loop3A_527 = arith.constant 16 : index
        %parallel_loop3A_528 = tpu.vector_load %parallel_loop3A_525[%parallel_loop3A_526, %parallel_loop3A_527] {strides = array<i32>} : memref<128x64xf32, #tpu.memory_space<vmem>>, vector<16xf32>,
        %parallel_loop3A_529 = arith.addf %parallel_loop3A_528, %get3A_242 : vector<16xf32>
        %parallel_loop3A_530 = arith.constant 0 : i32
        %parallel_loop3A_531 = arith.constant 0 : i32
        %parallel_loop3A_532 = arith.constant 0 : i32
        %parallel_loop3A_533 = tpu.memref_slice %arg9[%parallel_loop3A_252, %parallel_loop3A_530, %parallel_loop3A_531, %parallel_loop3A_532] : memref<4x8x8x129xf32, #tpu.memory_space<vmem>> -> memref<1x8x8x129xf32, #tpu.memory_space<vmem>>
        %parallel_loop3A_534 = tpu.memref_squeeze %parallel_loop3A_533 : memref<1x8x8x129xf32, #tpu.memory_space<vmem>> -> memref<8x8x129xf32, #tpu.memory_space<vmem>>
        tpu.vector_store_idx %parallel_loop3A_534[%shift_right_arithmetic3A_13, %and3A_36, %parallel_loop3A_508], %parallel_loop3A_529 : memref<8x8x129xf32, #tpu.memory_space<vmem>>[vector<16xi32>, vector<16xi32>, vector<16xi32>], vector<16xf32>,
        %parallel_loop3A_535 = arith.constant 0 : i32
        %parallel_loop3A_536 = arith.constant 0 : i32
        %parallel_loop3A_537 = tpu.memref_slice %arg8[%parallel_loop3A_251, %parallel_loop3A_535, %parallel_loop3A_536] : memref<4x128x64xf32, #tpu.memory_space<vmem>> -> memref<1x128x64xf32, #tpu.memory_space<vmem>>
        %parallel_loop3A_538 = tpu.memref_squeeze %parallel_loop3A_537 : memref<1x128x64xf32, #tpu.memory_space<vmem>> -> memref<128x64xf32, #tpu.memory_space<vmem>>
        %parallel_loop3A_539 = arith.index_cast %parallel_loop3A_507 : i32 to index
        %parallel_loop3A_540 = arith.constant 32 : index
        %parallel_loop3A_541 = tpu.vector_load %parallel_loop3A_538[%parallel_loop3A_539, %parallel_loop3A_540] {strides = array<i32>} : memref<128x64xf32, #tpu.memory_space<vmem>>, vector<16xf32>,
        %parallel_loop3A_542 = arith.addf %parallel_loop3A_541, %get3A_245 : vector<16xf32>
        %parallel_loop3A_543 = arith.constant 0 : i32
        %parallel_loop3A_544 = arith.constant 0 : i32
        %parallel_loop3A_545 = arith.constant 0 : i32
        %parallel_loop3A_546 = tpu.memref_slice %arg9[%parallel_loop3A_252, %parallel_loop3A_543, %parallel_loop3A_544, %parallel_loop3A_545] : memref<4x8x8x129xf32, #tpu.memory_space<vmem>> -> memref<1x8x8x129xf32, #tpu.memory_space<vmem>>
        %parallel_loop3A_547 = tpu.memref_squeeze %parallel_loop3A_546 : memref<1x8x8x129xf32, #tpu.memory_space<vmem>> -> memref<8x8x129xf32, #tpu.memory_space<vmem>>
        tpu.vector_store_idx %parallel_loop3A_547[%shift_right_arithmetic3A_19, %and3A_42, %parallel_loop3A_508], %parallel_loop3A_542 : memref<8x8x129xf32, #tpu.memory_space<vmem>>[vector<16xi32>, vector<16xi32>, vector<16xi32>], vector<16xf32>,
        %parallel_loop3A_548 = arith.constant 0 : i32
        %parallel_loop3A_549 = arith.constant 0 : i32
        %parallel_loop3A_550 = tpu.memref_slice %arg8[%parallel_loop3A_251, %parallel_loop3A_548, %parallel_loop3A_549] : memref<4x128x64xf32, #tpu.memory_space<vmem>> -> memref<1x128x64xf32, #tpu.memory_space<vmem>>
        %parallel_loop3A_551 = tpu.memref_squeeze %parallel_loop3A_550 : memref<1x128x64xf32, #tpu.memory_space<vmem>> -> memref<128x64xf32, #tpu.memory_space<vmem>>
        %parallel_loop3A_552 = arith.index_cast %parallel_loop3A_507 : i32 to index
        %parallel_loop3A_553 = arith.constant 48 : index
        %parallel_loop3A_554 = tpu.vector_load %parallel_loop3A_551[%parallel_loop3A_552, %parallel_loop3A_553] {strides = array<i32>} : memref<128x64xf32, #tpu.memory_space<vmem>>, vector<16xf32>,
        %parallel_loop3A_555 = arith.addf %parallel_loop3A_554, %get3A_248 : vector<16xf32>
        %parallel_loop3A_556 = arith.constant 0 : i32
        %parallel_loop3A_557 = arith.constant 0 : i32
        %parallel_loop3A_558 = arith.constant 0 : i32
        %parallel_loop3A_559 = tpu.memref_slice %arg9[%parallel_loop3A_252, %parallel_loop3A_556, %parallel_loop3A_557, %parallel_loop3A_558] : memref<4x8x8x129xf32, #tpu.memory_space<vmem>> -> memref<1x8x8x129xf32, #tpu.memory_space<vmem>>
        %parallel_loop3A_560 = tpu.memref_squeeze %parallel_loop3A_559 : memref<1x8x8x129xf32, #tpu.memory_space<vmem>> -> memref<8x8x129xf32, #tpu.memory_space<vmem>>
        tpu.vector_store_idx %parallel_loop3A_560[%shift_right_arithmetic3A_25, %and3A_48, %parallel_loop3A_508], %parallel_loop3A_555 : memref<8x8x129xf32, #tpu.memory_space<vmem>>[vector<16xi32>, vector<16xi32>, vector<16xi32>], vector<16xf32>,
      } {sc.loop_unroll_factor = 4 : i64, sc.parallel_access}
      %add3A_253 = arith.constant 4 : i32
      %add3A_254 = arith.addi %add3A_224, %add3A_253 : i32
      %lt3A = arith.constant 200 : i32
      %lt3A_255 = arith.cmpi slt, %add3A_254, %lt3A : i32
      %convert_element_type3A_256 = arith.extui %lt3A_255 : i1 to i32
      %cond3A_257 = arith.constant 0 : i32
      %cond3A_258 = arith.cmpi ne, %convert_element_type3A_256, %cond3A_257 : i32
      scf.if %cond3A_258 {
        %add3A_507 = arith.constant 4 : i32
        %add3A_508 = arith.addi %add3A_224, %add3A_507 : i32
        %dma_start3A_509 = arith.constant 0 : i32
        %dma_start3A_510 = arith.constant 0 : i32
        %dma_start3A_511 = arith.constant 0 : i32
        %dma_start3A_512 = tpu.memref_slice %arg8[%dma_start3A_509, %dma_start3A_510, %dma_start3A_511] : memref<4x128x64xf32, #tpu.memory_space<vmem>> -> memref<1x128x64xf32, #tpu.memory_space<vmem>>
        %dma_start3A_513 = tpu.memref_squeeze %dma_start3A_512 : memref<1x128x64xf32, #tpu.memory_space<vmem>> -> memref<128x64xf32, #tpu.memory_space<vmem>>
        %dma_start3A_514 = arith.constant 0 : i32
        %dma_start3A_515 = tpu.memref_slice %arg6[%add3A_508, %dma_start3A_514] : memref<200x128xi32, #tpu.memory_space<vmem>> -> memref<1x128xi32, #tpu.memory_space<vmem>>
        %dma_start3A_516 = tpu.memref_squeeze %dma_start3A_515 : memref<1x128xi32, #tpu.memory_space<vmem>> -> memref<128xi32, #tpu.memory_space<vmem>>
        %dma_start3A_517 = arith.constant 0 : i32
        %dma_start3A_518 = arith.constant 0 : i32
        %dma_start3A_519 = tpu.memref_slice %arg3[%dma_start3A_517, %dma_start3A_518] : memref<100000x64xf32, #tpu.memory_space<hbm>> -> memref<100000x64xf32, #tpu.memory_space<hbm>>
        tpu.enqueue_indirect_dma source(%dma_start3A_519 : memref<100000x64xf32, #tpu.memory_space<hbm>>) target(%dma_start3A_513 : memref<128x64xf32, #tpu.memory_space<vmem>>) offsets(%dma_start3A_516 : memref<128xi32, #tpu.memory_space<vmem>>) semaphore(%arg10 : memref<!tpu.dma_semaphore, #tpu.memory_space<semaphore_mem>>)
      } else {
      }
      %dma_start3A_259 = arith.constant 0 : i32
      %dma_start3A_260 = arith.constant 0 : i32
      %dma_start3A_261 = arith.constant 0 : i32
      %dma_start3A_262 = arith.constant 0 : i32
      %dma_start3A_263 = tpu.memref_slice %arg9[%dma_start3A_259, %dma_start3A_260, %dma_start3A_261, %dma_start3A_262] : memref<4x8x8x129xf32, #tpu.memory_space<vmem>> -> memref<1x8x8x129xf32, #tpu.memory_space<vmem>>
      %dma_start3A_264 = tpu.memref_squeeze %dma_start3A_263 : memref<1x8x8x129xf32, #tpu.memory_space<vmem>> -> memref<8x8x129xf32, #tpu.memory_space<vmem>>
      %dma_start3A_265 = arith.constant 0 : i32
      %dma_start3A_266 = arith.constant 0 : i32
      %dma_start3A_267 = arith.constant 0 : i32
      %dma_start3A_268 = tpu.memref_slice %dma_start3A_264[%dma_start3A_265, %dma_start3A_266, %dma_start3A_267] : memref<8x8x129xf32, #tpu.memory_space<vmem>> -> memref<8x8x128xf32, #tpu.memory_space<vmem>>
      %dma_start3A_269 = arith.constant 0 : i32
      %dma_start3A_270 = arith.constant 0 : i32
      %dma_start3A_271 = arith.constant 0 : i32
      %dma_start3A_272 = tpu.memref_slice %arg5[%add3A_224, %dma_start3A_269, %add3A, %dma_start3A_270, %dma_start3A_271] : memref<200x8x32x8x128xf32, #tpu.memory_space<hbm>> -> memref<1x8x1x8x128xf32, #tpu.memory_space<hbm>>
      %dma_start3A_273 = tpu.memref_squeeze %dma_start3A_272 : memref<1x8x1x8x128xf32, #tpu.memory_space<hbm>> -> memref<8x8x128xf32, #tpu.memory_space<hbm>>
      %dma_start3A_274 = arith.constant 0 : i32
      %dma_start3A_275 = arith.constant 0 : i32
      %dma_start3A_276 = arith.constant 0 : i32
      %dma_start3A_277 = tpu.memref_slice %arg5[%add3A_224, %dma_start3A_274, %add3A, %dma_start3A_275, %dma_start3A_276] : memref<200x8x32x8x128xf32, #tpu.memory_space<hbm>> -> memref<1x8x1x8x128xf32, #tpu.memory_space<hbm>>
      %dma_start3A_278 = tpu.memref_squeeze %dma_start3A_277 : memref<1x8x1x8x128xf32, #tpu.memory_space<hbm>> -> memref<8x8x128xf32, #tpu.memory_space<hbm>>
      %dma_start3A_279 = arith.constant 0 : i32
      %dma_start3A_280 = arith.constant 0 : i32
      %dma_start3A_281 = arith.constant 0 : i32
      %dma_start3A_282 = tpu.memref_slice %arg9[%dma_start3A_259, %dma_start3A_279, %dma_start3A_280, %dma_start3A_281] : memref<4x8x8x129xf32, #tpu.memory_space<vmem>> -> memref<1x8x8x129xf32, #tpu.memory_space<vmem>>
      %dma_start3A_283 = tpu.memref_squeeze %dma_start3A_282 : memref<1x8x8x129xf32, #tpu.memory_space<vmem>> -> memref<8x8x129xf32, #tpu.memory_space<vmem>>
      %dma_start3A_284 = arith.constant 0 : i32
      %dma_start3A_285 = arith.constant 0 : i32
      %dma_start3A_286 = arith.constant 0 : i32
      %dma_start3A_287 = tpu.memref_slice %dma_start3A_283[%dma_start3A_284, %dma_start3A_285, %dma_start3A_286] : memref<8x8x129xf32, #tpu.memory_space<vmem>> -> memref<8x8x128xf32, #tpu.memory_space<vmem>>
      tpu.enqueue_dma source(%dma_start3A_287 : memref<8x8x128xf32, #tpu.memory_space<vmem>>) target(%dma_start3A_278 : memref<8x8x128xf32, #tpu.memory_space<hbm>>) target_semaphore(%arg14 : memref<!tpu.dma_semaphore, #tpu.memory_space<semaphore_mem>>)
      %mul3A_288 = arith.constant 4 : i32
      %mul3A_289 = arith.muli %scan3A_220, %mul3A_288 : i32
      %add3A_290 = arith.constant 1 : i32
      %add3A_291 = arith.addi %mul3A_289, %add3A_290 : i32
      %dma_wait3A_292 = arith.constant 1 : i32
      %dma_wait3A_293 = arith.constant 0 : i32
      %dma_wait3A_294 = arith.constant 0 : i32
      %dma_wait3A_295 = tpu.memref_slice %arg8[%dma_wait3A_292, %dma_wait3A_293, %dma_wait3A_294] : memref<4x128x64xf32, #tpu.memory_space<vmem>> -> memref<1x128x64xf32, #tpu.memory_space<vmem>>
      %dma_wait3A_296 = tpu.memref_squeeze %dma_wait3A_295 : memref<1x128x64xf32, #tpu.memory_space<vmem>> -> memref<128x64xf32, #tpu.memory_space<vmem>>
      %dma_wait3A_297 = arith.constant 0 : i32
      %dma_wait3A_298 = tpu.memref_slice %arg6[%add3A_291, %dma_wait3A_297] : memref<200x128xi32, #tpu.memory_space<vmem>> -> memref<1x128xi32, #tpu.memory_space<vmem>>
      %dma_wait3A_299 = tpu.memref_squeeze %dma_wait3A_298 : memref<1x128xi32, #tpu.memory_space<vmem>> -> memref<128xi32, #tpu.memory_space<vmem>>
      %dma_wait3A_300 = arith.constant 0 : i32
      %dma_wait3A_301 = arith.constant 0 : i32
      %dma_wait3A_302 = tpu.memref_slice %arg3[%dma_wait3A_300, %dma_wait3A_301] : memref<100000x64xf32, #tpu.memory_space<hbm>> -> memref<100000x64xf32, #tpu.memory_space<hbm>>
      tpu.wait_indirect_dma semaphore(%arg11 : memref<!tpu.dma_semaphore, #tpu.memory_space<semaphore_mem>>) src(%dma_wait3A_302 : memref<100000x64xf32, #tpu.memory_space<hbm>>) dst(%dma_wait3A_296 : memref<128x64xf32, #tpu.memory_space<vmem>>)
      %ge3A_303 = arith.constant 4 : i32
      %ge3A_304 = arith.cmpi sge, %add3A_291, %ge3A_303 : i32
      %convert_element_type3A_305 = arith.extui %ge3A_304 : i1 to i32
      %cond3A_306 = arith.constant 0 : i32
      %cond3A_307 = arith.cmpi ne, %convert_element_type3A_305, %cond3A_306 : i32
      scf.if %cond3A_307 {
        %dma_wait3A_507 = arith.constant 1 : i32
        %dma_wait3A_508 = arith.constant 0 : i32
        %dma_wait3A_509 = arith.constant 0 : i32
        %dma_wait3A_510 = arith.constant 0 : i32
        %dma_wait3A_511 = arith.constant 0 : i32
        %dma_wait3A_512 = tpu.memref_slice %arg9[%dma_wait3A_507, %dma_wait3A_509, %dma_wait3A_510, %dma_wait3A_511] : memref<4x8x8x129xf32, #tpu.memory_space<vmem>> -> memref<1x8x8x129xf32, #tpu.memory_space<vmem>>
        %dma_wait3A_513 = tpu.memref_squeeze %dma_wait3A_512 : memref<1x8x8x129xf32, #tpu.memory_space<vmem>> -> memref<8x8x129xf32, #tpu.memory_space<vmem>>
        %dma_wait3A_514 = arith.constant 0 : i32
        %dma_wait3A_515 = arith.constant 0 : i32
        %dma_wait3A_516 = arith.constant 0 : i32
        %dma_wait3A_517 = tpu.memref_slice %dma_wait3A_513[%dma_wait3A_514, %dma_wait3A_515, %dma_wait3A_516] : memref<8x8x129xf32, #tpu.memory_space<vmem>> -> memref<8x8x128xf32, #tpu.memory_space<vmem>>
        %dma_wait3A_518 = arith.constant 0 : i32
        %dma_wait3A_519 = arith.constant 0 : i32
        %dma_wait3A_520 = arith.constant 0 : i32
        %dma_wait3A_521 = tpu.memref_slice %arg5[%dma_wait3A_508, %dma_wait3A_518, %add3A, %dma_wait3A_519, %dma_wait3A_520] : memref<200x8x32x8x128xf32, #tpu.memory_space<hbm>> -> memref<1x8x1x8x128xf32, #tpu.memory_space<hbm>>
        %dma_wait3A_522 = tpu.memref_squeeze %dma_wait3A_521 : memref<1x8x1x8x128xf32, #tpu.memory_space<hbm>> -> memref<8x8x128xf32, #tpu.memory_space<hbm>>
        %dma_wait3A_523 = arith.constant 0 : i32
        %dma_wait3A_524 = arith.constant 0 : i32
        %dma_wait3A_525 = arith.constant 0 : i32
        %dma_wait3A_526 = tpu.memref_slice %arg5[%dma_wait3A_508, %dma_wait3A_523, %add3A, %dma_wait3A_524, %dma_wait3A_525] : memref<200x8x32x8x128xf32, #tpu.memory_space<hbm>> -> memref<1x8x1x8x128xf32, #tpu.memory_space<hbm>>
        %dma_wait3A_527 = tpu.memref_squeeze %dma_wait3A_526 : memref<1x8x1x8x128xf32, #tpu.memory_space<hbm>> -> memref<8x8x128xf32, #tpu.memory_space<hbm>>
        %dma_wait3A_528 = arith.constant 0 : i32
        %dma_wait3A_529 = arith.constant 0 : i32
        %dma_wait3A_530 = arith.constant 0 : i32
        %dma_wait3A_531 = tpu.memref_slice %arg9[%dma_wait3A_507, %dma_wait3A_528, %dma_wait3A_529, %dma_wait3A_530] : memref<4x8x8x129xf32, #tpu.memory_space<vmem>> -> memref<1x8x8x129xf32, #tpu.memory_space<vmem>>
        %dma_wait3A_532 = tpu.memref_squeeze %dma_wait3A_531 : memref<1x8x8x129xf32, #tpu.memory_space<vmem>> -> memref<8x8x129xf32, #tpu.memory_space<vmem>>
        %dma_wait3A_533 = arith.constant 0 : i32
        %dma_wait3A_534 = arith.constant 0 : i32
        %dma_wait3A_535 = arith.constant 0 : i32
        %dma_wait3A_536 = tpu.memref_slice %dma_wait3A_532[%dma_wait3A_533, %dma_wait3A_534, %dma_wait3A_535] : memref<8x8x129xf32, #tpu.memory_space<vmem>> -> memref<8x8x128xf32, #tpu.memory_space<vmem>>
        tpu.wait_dma2 semaphore(%arg15 : memref<!tpu.dma_semaphore, #tpu.memory_space<semaphore_mem>>) src(%dma_wait3A_536 : memref<8x8x128xf32, #tpu.memory_space<vmem>>) dst(%dma_wait3A_527 : memref<8x8x128xf32, #tpu.memory_space<hbm>>)
      } else {
      }
      %get3A_308 = arith.index_cast %add3A_291 : i32 to index
      %get3A_309 = arith.constant 0 : index
      %get3A_310 = tpu.vector_load %arg7[%get3A_308, %get3A_309] {strides = array<i32>} : memref<200x64xf32, #tpu.memory_space<vmem>>, vector<16xf32>,
      %get3A_311 = arith.index_cast %add3A_291 : i32 to index
      %get3A_312 = arith.constant 16 : index
      %get3A_313 = tpu.vector_load %arg7[%get3A_311, %get3A_312] {strides = array<i32>} : memref<200x64xf32, #tpu.memory_space<vmem>>, vector<16xf32>,
      %get3A_314 = arith.index_cast %add3A_291 : i32 to index
      %get3A_315 = arith.constant 32 : index
      %get3A_316 = tpu.vector_load %arg7[%get3A_314, %get3A_315] {strides = array<i32>} : memref<200x64xf32, #tpu.memory_space<vmem>>, vector<16xf32>,
      %get3A_317 = arith.index_cast %add3A_291 : i32 to index
      %get3A_318 = arith.constant 48 : index
      %get3A_319 = tpu.vector_load %arg7[%get3A_317, %get3A_318] {strides = array<i32>} : memref<200x64xf32, #tpu.memory_space<vmem>>, vector<16xf32>,
      %parallel_loop3A_320 = arith.constant 0 : i32
      %parallel_loop3A_321 = arith.constant 128 : i32
      %parallel_loop3A_322 = arith.constant 1 : i32
      %parallel_loop3A_323 = arith.constant 1 : i32
      %parallel_loop3A_324 = arith.constant 1 : i32
      scf.for %parallel_loop3A_507 = %parallel_loop3A_320 to %parallel_loop3A_321 step %parallel_loop3A_322  : i32 {
        %parallel_loop3A_508 = vector.broadcast %parallel_loop3A_507 : i32 to vector<16xi32>
        %parallel_loop3A_509 = arith.constant 0 : i32
        %parallel_loop3A_510 = arith.constant 0 : i32
        %parallel_loop3A_511 = tpu.memref_slice %arg8[%parallel_loop3A_323, %parallel_loop3A_509, %parallel_loop3A_510] : memref<4x128x64xf32, #tpu.memory_space<vmem>> -> memref<1x128x64xf32, #tpu.memory_space<vmem>>
        %parallel_loop3A_512 = tpu.memref_squeeze %parallel_loop3A_511 : memref<1x128x64xf32, #tpu.memory_space<vmem>> -> memref<128x64xf32, #tpu.memory_space<vmem>>
        %parallel_loop3A_513 = arith.index_cast %parallel_loop3A_507 : i32 to index
        %parallel_loop3A_514 = arith.constant 0 : index
        %parallel_loop3A_515 = tpu.vector_load %parallel_loop3A_512[%parallel_loop3A_513, %parallel_loop3A_514] {strides = array<i32>} : memref<128x64xf32, #tpu.memory_space<vmem>>, vector<16xf32>,
        %parallel_loop3A_516 = arith.addf %parallel_loop3A_515, %get3A_310 : vector<16xf32>
        %parallel_loop3A_517 = arith.constant 0 : i32
        %parallel_loop3A_518 = arith.constant 0 : i32
        %parallel_loop3A_519 = arith.constant 0 : i32
        %parallel_loop3A_520 = tpu.memref_slice %arg9[%parallel_loop3A_324, %parallel_loop3A_517, %parallel_loop3A_518, %parallel_loop3A_519] : memref<4x8x8x129xf32, #tpu.memory_space<vmem>> -> memref<1x8x8x129xf32, #tpu.memory_space<vmem>>
        %parallel_loop3A_521 = tpu.memref_squeeze %parallel_loop3A_520 : memref<1x8x8x129xf32, #tpu.memory_space<vmem>> -> memref<8x8x129xf32, #tpu.memory_space<vmem>>
        tpu.vector_store_idx %parallel_loop3A_521[%shift_right_arithmetic3A_7, %and3A_30, %parallel_loop3A_508], %parallel_loop3A_516 : memref<8x8x129xf32, #tpu.memory_space<vmem>>[vector<16xi32>, vector<16xi32>, vector<16xi32>], vector<16xf32>,
        %parallel_loop3A_522 = arith.constant 0 : i32
        %parallel_loop3A_523 = arith.constant 0 : i32
        %parallel_loop3A_524 = tpu.memref_slice %arg8[%parallel_loop3A_323, %parallel_loop3A_522, %parallel_loop3A_523] : memref<4x128x64xf32, #tpu.memory_space<vmem>> -> memref<1x128x64xf32, #tpu.memory_space<vmem>>
        %parallel_loop3A_525 = tpu.memref_squeeze %parallel_loop3A_524 : memref<1x128x64xf32, #tpu.memory_space<vmem>> -> memref<128x64xf32, #tpu.memory_space<vmem>>
        %parallel_loop3A_526 = arith.index_cast %parallel_loop3A_507 : i32 to index
        %parallel_loop3A_527 = arith.constant 16 : index
        %parallel_loop3A_528 = tpu.vector_load %parallel_loop3A_525[%parallel_loop3A_526, %parallel_loop3A_527] {strides = array<i32>} : memref<128x64xf32, #tpu.memory_space<vmem>>, vector<16xf32>,
        %parallel_loop3A_529 = arith.addf %parallel_loop3A_528, %get3A_313 : vector<16xf32>
        %parallel_loop3A_530 = arith.constant 0 : i32
        %parallel_loop3A_531 = arith.constant 0 : i32
        %parallel_loop3A_532 = arith.constant 0 : i32
        %parallel_loop3A_533 = tpu.memref_slice %arg9[%parallel_loop3A_324, %parallel_loop3A_530, %parallel_loop3A_531, %parallel_loop3A_532] : memref<4x8x8x129xf32, #tpu.memory_space<vmem>> -> memref<1x8x8x129xf32, #tpu.memory_space<vmem>>
        %parallel_loop3A_534 = tpu.memref_squeeze %parallel_loop3A_533 : memref<1x8x8x129xf32, #tpu.memory_space<vmem>> -> memref<8x8x129xf32, #tpu.memory_space<vmem>>
        tpu.vector_store_idx %parallel_loop3A_534[%shift_right_arithmetic3A_13, %and3A_36, %parallel_loop3A_508], %parallel_loop3A_529 : memref<8x8x129xf32, #tpu.memory_space<vmem>>[vector<16xi32>, vector<16xi32>, vector<16xi32>], vector<16xf32>,
        %parallel_loop3A_535 = arith.constant 0 : i32
        %parallel_loop3A_536 = arith.constant 0 : i32
        %parallel_loop3A_537 = tpu.memref_slice %arg8[%parallel_loop3A_323, %parallel_loop3A_535, %parallel_loop3A_536] : memref<4x128x64xf32, #tpu.memory_space<vmem>> -> memref<1x128x64xf32, #tpu.memory_space<vmem>>
        %parallel_loop3A_538 = tpu.memref_squeeze %parallel_loop3A_537 : memref<1x128x64xf32, #tpu.memory_space<vmem>> -> memref<128x64xf32, #tpu.memory_space<vmem>>
        %parallel_loop3A_539 = arith.index_cast %parallel_loop3A_507 : i32 to index
        %parallel_loop3A_540 = arith.constant 32 : index
        %parallel_loop3A_541 = tpu.vector_load %parallel_loop3A_538[%parallel_loop3A_539, %parallel_loop3A_540] {strides = array<i32>} : memref<128x64xf32, #tpu.memory_space<vmem>>, vector<16xf32>,
        %parallel_loop3A_542 = arith.addf %parallel_loop3A_541, %get3A_316 : vector<16xf32>
        %parallel_loop3A_543 = arith.constant 0 : i32
        %parallel_loop3A_544 = arith.constant 0 : i32
        %parallel_loop3A_545 = arith.constant 0 : i32
        %parallel_loop3A_546 = tpu.memref_slice %arg9[%parallel_loop3A_324, %parallel_loop3A_543, %parallel_loop3A_544, %parallel_loop3A_545] : memref<4x8x8x129xf32, #tpu.memory_space<vmem>> -> memref<1x8x8x129xf32, #tpu.memory_space<vmem>>
        %parallel_loop3A_547 = tpu.memref_squeeze %parallel_loop3A_546 : memref<1x8x8x129xf32, #tpu.memory_space<vmem>> -> memref<8x8x129xf32, #tpu.memory_space<vmem>>
        tpu.vector_store_idx %parallel_loop3A_547[%shift_right_arithmetic3A_19, %and3A_42, %parallel_loop3A_508], %parallel_loop3A_542 : memref<8x8x129xf32, #tpu.memory_space<vmem>>[vector<16xi32>, vector<16xi32>, vector<16xi32>], vector<16xf32>,
        %parallel_loop3A_548 = arith.constant 0 : i32
        %parallel_loop3A_549 = arith.constant 0 : i32
        %parallel_loop3A_550 = tpu.memref_slice %arg8[%parallel_loop3A_323, %parallel_loop3A_548, %parallel_loop3A_549] : memref<4x128x64xf32, #tpu.memory_space<vmem>> -> memref<1x128x64xf32, #tpu.memory_space<vmem>>
        %parallel_loop3A_551 = tpu.memref_squeeze %parallel_loop3A_550 : memref<1x128x64xf32, #tpu.memory_space<vmem>> -> memref<128x64xf32, #tpu.memory_space<vmem>>
        %parallel_loop3A_552 = arith.index_cast %parallel_loop3A_507 : i32 to index
        %parallel_loop3A_553 = arith.constant 48 : index
        %parallel_loop3A_554 = tpu.vector_load %parallel_loop3A_551[%parallel_loop3A_552, %parallel_loop3A_553] {strides = array<i32>} : memref<128x64xf32, #tpu.memory_space<vmem>>, vector<16xf32>,
        %parallel_loop3A_555 = arith.addf %parallel_loop3A_554, %get3A_319 : vector<16xf32>
        %parallel_loop3A_556 = arith.constant 0 : i32
        %parallel_loop3A_557 = arith.constant 0 : i32
        %parallel_loop3A_558 = arith.constant 0 : i32
        %parallel_loop3A_559 = tpu.memref_slice %arg9[%parallel_loop3A_324, %parallel_loop3A_556, %parallel_loop3A_557, %parallel_loop3A_558] : memref<4x8x8x129xf32, #tpu.memory_space<vmem>> -> memref<1x8x8x129xf32, #tpu.memory_space<vmem>>
        %parallel_loop3A_560 = tpu.memref_squeeze %parallel_loop3A_559 : memref<1x8x8x129xf32, #tpu.memory_space<vmem>> -> memref<8x8x129xf32, #tpu.memory_space<vmem>>
        tpu.vector_store_idx %parallel_loop3A_560[%shift_right_arithmetic3A_25, %and3A_48, %parallel_loop3A_508], %parallel_loop3A_555 : memref<8x8x129xf32, #tpu.memory_space<vmem>>[vector<16xi32>, vector<16xi32>, vector<16xi32>], vector<16xf32>,
      } {sc.loop_unroll_factor = 4 : i64, sc.parallel_access}
      %add3A_325 = arith.constant 4 : i32
      %add3A_326 = arith.addi %add3A_291, %add3A_325 : i32
      %lt3A_327 = arith.constant 200 : i32
      %lt3A_328 = arith.cmpi slt, %add3A_326, %lt3A_327 : i32
      %convert_element_type3A_329 = arith.extui %lt3A_328 : i1 to i32
      %cond3A_330 = arith.constant 0 : i32
      %cond3A_331 = arith.cmpi ne, %convert_element_type3A_329, %cond3A_330 : i32
      scf.if %cond3A_331 {
        %add3A_507 = arith.constant 4 : i32
        %add3A_508 = arith.addi %add3A_291, %add3A_507 : i32
        %dma_start3A_509 = arith.constant 1 : i32
        %dma_start3A_510 = arith.constant 0 : i32
        %dma_start3A_511 = arith.constant 0 : i32
        %dma_start3A_512 = tpu.memref_slice %arg8[%dma_start3A_509, %dma_start3A_510, %dma_start3A_511] : memref<4x128x64xf32, #tpu.memory_space<vmem>> -> memref<1x128x64xf32, #tpu.memory_space<vmem>>
        %dma_start3A_513 = tpu.memref_squeeze %dma_start3A_512 : memref<1x128x64xf32, #tpu.memory_space<vmem>> -> memref<128x64xf32, #tpu.memory_space<vmem>>
        %dma_start3A_514 = arith.constant 0 : i32
        %dma_start3A_515 = tpu.memref_slice %arg6[%add3A_508, %dma_start3A_514] : memref<200x128xi32, #tpu.memory_space<vmem>> -> memref<1x128xi32, #tpu.memory_space<vmem>>
        %dma_start3A_516 = tpu.memref_squeeze %dma_start3A_515 : memref<1x128xi32, #tpu.memory_space<vmem>> -> memref<128xi32, #tpu.memory_space<vmem>>
        %dma_start3A_517 = arith.constant 0 : i32
        %dma_start3A_518 = arith.constant 0 : i32
        %dma_start3A_519 = tpu.memref_slice %arg3[%dma_start3A_517, %dma_start3A_518] : memref<100000x64xf32, #tpu.memory_space<hbm>> -> memref<100000x64xf32, #tpu.memory_space<hbm>>
        tpu.enqueue_indirect_dma source(%dma_start3A_519 : memref<100000x64xf32, #tpu.memory_space<hbm>>) target(%dma_start3A_513 : memref<128x64xf32, #tpu.memory_space<vmem>>) offsets(%dma_start3A_516 : memref<128xi32, #tpu.memory_space<vmem>>) semaphore(%arg11 : memref<!tpu.dma_semaphore, #tpu.memory_space<semaphore_mem>>)
      } else {
      }
      %dma_start3A_332 = arith.constant 1 : i32
      %dma_start3A_333 = arith.constant 0 : i32
      %dma_start3A_334 = arith.constant 0 : i32
      %dma_start3A_335 = arith.constant 0 : i32
      %dma_start3A_336 = tpu.memref_slice %arg9[%dma_start3A_332, %dma_start3A_333, %dma_start3A_334, %dma_start3A_335] : memref<4x8x8x129xf32, #tpu.memory_space<vmem>> -> memref<1x8x8x129xf32, #tpu.memory_space<vmem>>
      %dma_start3A_337 = tpu.memref_squeeze %dma_start3A_336 : memref<1x8x8x129xf32, #tpu.memory_space<vmem>> -> memref<8x8x129xf32, #tpu.memory_space<vmem>>
      %dma_start3A_338 = arith.constant 0 : i32
      %dma_start3A_339 = arith.constant 0 : i32
      %dma_start3A_340 = arith.constant 0 : i32
      %dma_start3A_341 = tpu.memref_slice %dma_start3A_337[%dma_start3A_338, %dma_start3A_339, %dma_start3A_340] : memref<8x8x129xf32, #tpu.memory_space<vmem>> -> memref<8x8x128xf32, #tpu.memory_space<vmem>>
      %dma_start3A_342 = arith.constant 0 : i32
      %dma_start3A_343 = arith.constant 0 : i32
      %dma_start3A_344 = arith.constant 0 : i32
      %dma_start3A_345 = tpu.memref_slice %arg5[%add3A_291, %dma_start3A_342, %add3A, %dma_start3A_343, %dma_start3A_344] : memref<200x8x32x8x128xf32, #tpu.memory_space<hbm>> -> memref<1x8x1x8x128xf32, #tpu.memory_space<hbm>>
      %dma_start3A_346 = tpu.memref_squeeze %dma_start3A_345 : memref<1x8x1x8x128xf32, #tpu.memory_space<hbm>> -> memref<8x8x128xf32, #tpu.memory_space<hbm>>
      %dma_start3A_347 = arith.constant 0 : i32
      %dma_start3A_348 = arith.constant 0 : i32
      %dma_start3A_349 = arith.constant 0 : i32
      %dma_start3A_350 = tpu.memref_slice %arg5[%add3A_291, %dma_start3A_347, %add3A, %dma_start3A_348, %dma_start3A_349] : memref<200x8x32x8x128xf32, #tpu.memory_space<hbm>> -> memref<1x8x1x8x128xf32, #tpu.memory_space<hbm>>
      %dma_start3A_351 = tpu.memref_squeeze %dma_start3A_350 : memref<1x8x1x8x128xf32, #tpu.memory_space<hbm>> -> memref<8x8x128xf32, #tpu.memory_space<hbm>>
      %dma_start3A_352 = arith.constant 0 : i32
      %dma_start3A_353 = arith.constant 0 : i32
      %dma_start3A_354 = arith.constant 0 : i32
      %dma_start3A_355 = tpu.memref_slice %arg9[%dma_start3A_332, %dma_start3A_352, %dma_start3A_353, %dma_start3A_354] : memref<4x8x8x129xf32, #tpu.memory_space<vmem>> -> memref<1x8x8x129xf32, #tpu.memory_space<vmem>>
      %dma_start3A_356 = tpu.memref_squeeze %dma_start3A_355 : memref<1x8x8x129xf32, #tpu.memory_space<vmem>> -> memref<8x8x129xf32, #tpu.memory_space<vmem>>
      %dma_start3A_357 = arith.constant 0 : i32
      %dma_start3A_358 = arith.constant 0 : i32
      %dma_start3A_359 = arith.constant 0 : i32
      %dma_start3A_360 = tpu.memref_slice %dma_start3A_356[%dma_start3A_357, %dma_start3A_358, %dma_start3A_359] : memref<8x8x129xf32, #tpu.memory_space<vmem>> -> memref<8x8x128xf32, #tpu.memory_space<vmem>>
      tpu.enqueue_dma source(%dma_start3A_360 : memref<8x8x128xf32, #tpu.memory_space<vmem>>) target(%dma_start3A_351 : memref<8x8x128xf32, #tpu.memory_space<hbm>>) target_semaphore(%arg15 : memref<!tpu.dma_semaphore, #tpu.memory_space<semaphore_mem>>)
      %mul3A_361 = arith.constant 4 : i32
      %mul3A_362 = arith.muli %scan3A_220, %mul3A_361 : i32
      %add3A_363 = arith.constant 2 : i32
      %add3A_364 = arith.addi %mul3A_362, %add3A_363 : i32
      %dma_wait3A_365 = arith.constant 2 : i32
      %dma_wait3A_366 = arith.constant 0 : i32
      %dma_wait3A_367 = arith.constant 0 : i32
      %dma_wait3A_368 = tpu.memref_slice %arg8[%dma_wait3A_365, %dma_wait3A_366, %dma_wait3A_367] : memref<4x128x64xf32, #tpu.memory_space<vmem>> -> memref<1x128x64xf32, #tpu.memory_space<vmem>>
      %dma_wait3A_369 = tpu.memref_squeeze %dma_wait3A_368 : memref<1x128x64xf32, #tpu.memory_space<vmem>> -> memref<128x64xf32, #tpu.memory_space<vmem>>
      %dma_wait3A_370 = arith.constant 0 : i32
      %dma_wait3A_371 = tpu.memref_slice %arg6[%add3A_364, %dma_wait3A_370] : memref<200x128xi32, #tpu.memory_space<vmem>> -> memref<1x128xi32, #tpu.memory_space<vmem>>
      %dma_wait3A_372 = tpu.memref_squeeze %dma_wait3A_371 : memref<1x128xi32, #tpu.memory_space<vmem>> -> memref<128xi32, #tpu.memory_space<vmem>>
      %dma_wait3A_373 = arith.constant 0 : i32
      %dma_wait3A_374 = arith.constant 0 : i32
      %dma_wait3A_375 = tpu.memref_slice %arg3[%dma_wait3A_373, %dma_wait3A_374] : memref<100000x64xf32, #tpu.memory_space<hbm>> -> memref<100000x64xf32, #tpu.memory_space<hbm>>
      tpu.wait_indirect_dma semaphore(%arg12 : memref<!tpu.dma_semaphore, #tpu.memory_space<semaphore_mem>>) src(%dma_wait3A_375 : memref<100000x64xf32, #tpu.memory_space<hbm>>) dst(%dma_wait3A_369 : memref<128x64xf32, #tpu.memory_space<vmem>>)
      %ge3A_376 = arith.constant 4 : i32
      %ge3A_377 = arith.cmpi sge, %add3A_364, %ge3A_376 : i32
      %convert_element_type3A_378 = arith.extui %ge3A_377 : i1 to i32
      %cond3A_379 = arith.constant 0 : i32
      %cond3A_380 = arith.cmpi ne, %convert_element_type3A_378, %cond3A_379 : i32
      scf.if %cond3A_380 {
        %dma_wait3A_507 = arith.constant 2 : i32
        %dma_wait3A_508 = arith.constant 0 : i32
        %dma_wait3A_509 = arith.constant 0 : i32
        %dma_wait3A_510 = arith.constant 0 : i32
        %dma_wait3A_511 = arith.constant 0 : i32
        %dma_wait3A_512 = tpu.memref_slice %arg9[%dma_wait3A_507, %dma_wait3A_509, %dma_wait3A_510, %dma_wait3A_511] : memref<4x8x8x129xf32, #tpu.memory_space<vmem>> -> memref<1x8x8x129xf32, #tpu.memory_space<vmem>>
        %dma_wait3A_513 = tpu.memref_squeeze %dma_wait3A_512 : memref<1x8x8x129xf32, #tpu.memory_space<vmem>> -> memref<8x8x129xf32, #tpu.memory_space<vmem>>
        %dma_wait3A_514 = arith.constant 0 : i32
        %dma_wait3A_515 = arith.constant 0 : i32
        %dma_wait3A_516 = arith.constant 0 : i32
        %dma_wait3A_517 = tpu.memref_slice %dma_wait3A_513[%dma_wait3A_514, %dma_wait3A_515, %dma_wait3A_516] : memref<8x8x129xf32, #tpu.memory_space<vmem>> -> memref<8x8x128xf32, #tpu.memory_space<vmem>>
        %dma_wait3A_518 = arith.constant 0 : i32
        %dma_wait3A_519 = arith.constant 0 : i32
        %dma_wait3A_520 = arith.constant 0 : i32
        %dma_wait3A_521 = tpu.memref_slice %arg5[%dma_wait3A_508, %dma_wait3A_518, %add3A, %dma_wait3A_519, %dma_wait3A_520] : memref<200x8x32x8x128xf32, #tpu.memory_space<hbm>> -> memref<1x8x1x8x128xf32, #tpu.memory_space<hbm>>
        %dma_wait3A_522 = tpu.memref_squeeze %dma_wait3A_521 : memref<1x8x1x8x128xf32, #tpu.memory_space<hbm>> -> memref<8x8x128xf32, #tpu.memory_space<hbm>>
        %dma_wait3A_523 = arith.constant 0 : i32
        %dma_wait3A_524 = arith.constant 0 : i32
        %dma_wait3A_525 = arith.constant 0 : i32
        %dma_wait3A_526 = tpu.memref_slice %arg5[%dma_wait3A_508, %dma_wait3A_523, %add3A, %dma_wait3A_524, %dma_wait3A_525] : memref<200x8x32x8x128xf32, #tpu.memory_space<hbm>> -> memref<1x8x1x8x128xf32, #tpu.memory_space<hbm>>
        %dma_wait3A_527 = tpu.memref_squeeze %dma_wait3A_526 : memref<1x8x1x8x128xf32, #tpu.memory_space<hbm>> -> memref<8x8x128xf32, #tpu.memory_space<hbm>>
        %dma_wait3A_528 = arith.constant 0 : i32
        %dma_wait3A_529 = arith.constant 0 : i32
        %dma_wait3A_530 = arith.constant 0 : i32
        %dma_wait3A_531 = tpu.memref_slice %arg9[%dma_wait3A_507, %dma_wait3A_528, %dma_wait3A_529, %dma_wait3A_530] : memref<4x8x8x129xf32, #tpu.memory_space<vmem>> -> memref<1x8x8x129xf32, #tpu.memory_space<vmem>>
        %dma_wait3A_532 = tpu.memref_squeeze %dma_wait3A_531 : memref<1x8x8x129xf32, #tpu.memory_space<vmem>> -> memref<8x8x129xf32, #tpu.memory_space<vmem>>
        %dma_wait3A_533 = arith.constant 0 : i32
        %dma_wait3A_534 = arith.constant 0 : i32
        %dma_wait3A_535 = arith.constant 0 : i32
        %dma_wait3A_536 = tpu.memref_slice %dma_wait3A_532[%dma_wait3A_533, %dma_wait3A_534, %dma_wait3A_535] : memref<8x8x129xf32, #tpu.memory_space<vmem>> -> memref<8x8x128xf32, #tpu.memory_space<vmem>>
        tpu.wait_dma2 semaphore(%arg16 : memref<!tpu.dma_semaphore, #tpu.memory_space<semaphore_mem>>) src(%dma_wait3A_536 : memref<8x8x128xf32, #tpu.memory_space<vmem>>) dst(%dma_wait3A_527 : memref<8x8x128xf32, #tpu.memory_space<hbm>>)
      } else {
      }
      %get3A_381 = arith.index_cast %add3A_364 : i32 to index
      %get3A_382 = arith.constant 0 : index
      %get3A_383 = tpu.vector_load %arg7[%get3A_381, %get3A_382] {strides = array<i32>} : memref<200x64xf32, #tpu.memory_space<vmem>>, vector<16xf32>,
      %get3A_384 = arith.index_cast %add3A_364 : i32 to index
      %get3A_385 = arith.constant 16 : index
      %get3A_386 = tpu.vector_load %arg7[%get3A_384, %get3A_385] {strides = array<i32>} : memref<200x64xf32, #tpu.memory_space<vmem>>, vector<16xf32>,
      %get3A_387 = arith.index_cast %add3A_364 : i32 to index
      %get3A_388 = arith.constant 32 : index
      %get3A_389 = tpu.vector_load %arg7[%get3A_387, %get3A_388] {strides = array<i32>} : memref<200x64xf32, #tpu.memory_space<vmem>>, vector<16xf32>,
      %get3A_390 = arith.index_cast %add3A_364 : i32 to index
      %get3A_391 = arith.constant 48 : index
      %get3A_392 = tpu.vector_load %arg7[%get3A_390, %get3A_391] {strides = array<i32>} : memref<200x64xf32, #tpu.memory_space<vmem>>, vector<16xf32>,
      %parallel_loop3A_393 = arith.constant 0 : i32
      %parallel_loop3A_394 = arith.constant 128 : i32
      %parallel_loop3A_395 = arith.constant 1 : i32
      %parallel_loop3A_396 = arith.constant 2 : i32
      %parallel_loop3A_397 = arith.constant 2 : i32
      scf.for %parallel_loop3A_507 = %parallel_loop3A_393 to %parallel_loop3A_394 step %parallel_loop3A_395  : i32 {
        %parallel_loop3A_508 = vector.broadcast %parallel_loop3A_507 : i32 to vector<16xi32>
        %parallel_loop3A_509 = arith.constant 0 : i32
        %parallel_loop3A_510 = arith.constant 0 : i32
        %parallel_loop3A_511 = tpu.memref_slice %arg8[%parallel_loop3A_396, %parallel_loop3A_509, %parallel_loop3A_510] : memref<4x128x64xf32, #tpu.memory_space<vmem>> -> memref<1x128x64xf32, #tpu.memory_space<vmem>>
        %parallel_loop3A_512 = tpu.memref_squeeze %parallel_loop3A_511 : memref<1x128x64xf32, #tpu.memory_space<vmem>> -> memref<128x64xf32, #tpu.memory_space<vmem>>
        %parallel_loop3A_513 = arith.index_cast %parallel_loop3A_507 : i32 to index
        %parallel_loop3A_514 = arith.constant 0 : index
        %parallel_loop3A_515 = tpu.vector_load %parallel_loop3A_512[%parallel_loop3A_513, %parallel_loop3A_514] {strides = array<i32>} : memref<128x64xf32, #tpu.memory_space<vmem>>, vector<16xf32>,
        %parallel_loop3A_516 = arith.addf %parallel_loop3A_515, %get3A_383 : vector<16xf32>
        %parallel_loop3A_517 = arith.constant 0 : i32
        %parallel_loop3A_518 = arith.constant 0 : i32
        %parallel_loop3A_519 = arith.constant 0 : i32
        %parallel_loop3A_520 = tpu.memref_slice %arg9[%parallel_loop3A_397, %parallel_loop3A_517, %parallel_loop3A_518, %parallel_loop3A_519] : memref<4x8x8x129xf32, #tpu.memory_space<vmem>> -> memref<1x8x8x129xf32, #tpu.memory_space<vmem>>
        %parallel_loop3A_521 = tpu.memref_squeeze %parallel_loop3A_520 : memref<1x8x8x129xf32, #tpu.memory_space<vmem>> -> memref<8x8x129xf32, #tpu.memory_space<vmem>>
        tpu.vector_store_idx %parallel_loop3A_521[%shift_right_arithmetic3A_7, %and3A_30, %parallel_loop3A_508], %parallel_loop3A_516 : memref<8x8x129xf32, #tpu.memory_space<vmem>>[vector<16xi32>, vector<16xi32>, vector<16xi32>], vector<16xf32>,
        %parallel_loop3A_522 = arith.constant 0 : i32
        %parallel_loop3A_523 = arith.constant 0 : i32
        %parallel_loop3A_524 = tpu.memref_slice %arg8[%parallel_loop3A_396, %parallel_loop3A_522, %parallel_loop3A_523] : memref<4x128x64xf32, #tpu.memory_space<vmem>> -> memref<1x128x64xf32, #tpu.memory_space<vmem>>
        %parallel_loop3A_525 = tpu.memref_squeeze %parallel_loop3A_524 : memref<1x128x64xf32, #tpu.memory_space<vmem>> -> memref<128x64xf32, #tpu.memory_space<vmem>>
        %parallel_loop3A_526 = arith.index_cast %parallel_loop3A_507 : i32 to index
        %parallel_loop3A_527 = arith.constant 16 : index
        %parallel_loop3A_528 = tpu.vector_load %parallel_loop3A_525[%parallel_loop3A_526, %parallel_loop3A_527] {strides = array<i32>} : memref<128x64xf32, #tpu.memory_space<vmem>>, vector<16xf32>,
        %parallel_loop3A_529 = arith.addf %parallel_loop3A_528, %get3A_386 : vector<16xf32>
        %parallel_loop3A_530 = arith.constant 0 : i32
        %parallel_loop3A_531 = arith.constant 0 : i32
        %parallel_loop3A_532 = arith.constant 0 : i32
        %parallel_loop3A_533 = tpu.memref_slice %arg9[%parallel_loop3A_397, %parallel_loop3A_530, %parallel_loop3A_531, %parallel_loop3A_532] : memref<4x8x8x129xf32, #tpu.memory_space<vmem>> -> memref<1x8x8x129xf32, #tpu.memory_space<vmem>>
        %parallel_loop3A_534 = tpu.memref_squeeze %parallel_loop3A_533 : memref<1x8x8x129xf32, #tpu.memory_space<vmem>> -> memref<8x8x129xf32, #tpu.memory_space<vmem>>
        tpu.vector_store_idx %parallel_loop3A_534[%shift_right_arithmetic3A_13, %and3A_36, %parallel_loop3A_508], %parallel_loop3A_529 : memref<8x8x129xf32, #tpu.memory_space<vmem>>[vector<16xi32>, vector<16xi32>, vector<16xi32>], vector<16xf32>,
        %parallel_loop3A_535 = arith.constant 0 : i32
        %parallel_loop3A_536 = arith.constant 0 : i32
        %parallel_loop3A_537 = tpu.memref_slice %arg8[%parallel_loop3A_396, %parallel_loop3A_535, %parallel_loop3A_536] : memref<4x128x64xf32, #tpu.memory_space<vmem>> -> memref<1x128x64xf32, #tpu.memory_space<vmem>>
        %parallel_loop3A_538 = tpu.memref_squeeze %parallel_loop3A_537 : memref<1x128x64xf32, #tpu.memory_space<vmem>> -> memref<128x64xf32, #tpu.memory_space<vmem>>
        %parallel_loop3A_539 = arith.index_cast %parallel_loop3A_507 : i32 to index
        %parallel_loop3A_540 = arith.constant 32 : index
        %parallel_loop3A_541 = tpu.vector_load %parallel_loop3A_538[%parallel_loop3A_539, %parallel_loop3A_540] {strides = array<i32>} : memref<128x64xf32, #tpu.memory_space<vmem>>, vector<16xf32>,
        %parallel_loop3A_542 = arith.addf %parallel_loop3A_541, %get3A_389 : vector<16xf32>
        %parallel_loop3A_543 = arith.constant 0 : i32
        %parallel_loop3A_544 = arith.constant 0 : i32
        %parallel_loop3A_545 = arith.constant 0 : i32
        %parallel_loop3A_546 = tpu.memref_slice %arg9[%parallel_loop3A_397, %parallel_loop3A_543, %parallel_loop3A_544, %parallel_loop3A_545] : memref<4x8x8x129xf32, #tpu.memory_space<vmem>> -> memref<1x8x8x129xf32, #tpu.memory_space<vmem>>
        %parallel_loop3A_547 = tpu.memref_squeeze %parallel_loop3A_546 : memref<1x8x8x129xf32, #tpu.memory_space<vmem>> -> memref<8x8x129xf32, #tpu.memory_space<vmem>>
        tpu.vector_store_idx %parallel_loop3A_547[%shift_right_arithmetic3A_19, %and3A_42, %parallel_loop3A_508], %parallel_loop3A_542 : memref<8x8x129xf32, #tpu.memory_space<vmem>>[vector<16xi32>, vector<16xi32>, vector<16xi32>], vector<16xf32>,
        %parallel_loop3A_548 = arith.constant 0 : i32
        %parallel_loop3A_549 = arith.constant 0 : i32
        %parallel_loop3A_550 = tpu.memref_slice %arg8[%parallel_loop3A_396, %parallel_loop3A_548, %parallel_loop3A_549] : memref<4x128x64xf32, #tpu.memory_space<vmem>> -> memref<1x128x64xf32, #tpu.memory_space<vmem>>
        %parallel_loop3A_551 = tpu.memref_squeeze %parallel_loop3A_550 : memref<1x128x64xf32, #tpu.memory_space<vmem>> -> memref<128x64xf32, #tpu.memory_space<vmem>>
        %parallel_loop3A_552 = arith.index_cast %parallel_loop3A_507 : i32 to index
        %parallel_loop3A_553 = arith.constant 48 : index
        %parallel_loop3A_554 = tpu.vector_load %parallel_loop3A_551[%parallel_loop3A_552, %parallel_loop3A_553] {strides = array<i32>} : memref<128x64xf32, #tpu.memory_space<vmem>>, vector<16xf32>,
        %parallel_loop3A_555 = arith.addf %parallel_loop3A_554, %get3A_392 : vector<16xf32>
        %parallel_loop3A_556 = arith.constant 0 : i32
        %parallel_loop3A_557 = arith.constant 0 : i32
        %parallel_loop3A_558 = arith.constant 0 : i32
        %parallel_loop3A_559 = tpu.memref_slice %arg9[%parallel_loop3A_397, %parallel_loop3A_556, %parallel_loop3A_557, %parallel_loop3A_558] : memref<4x8x8x129xf32, #tpu.memory_space<vmem>> -> memref<1x8x8x129xf32, #tpu.memory_space<vmem>>
        %parallel_loop3A_560 = tpu.memref_squeeze %parallel_loop3A_559 : memref<1x8x8x129xf32, #tpu.memory_space<vmem>> -> memref<8x8x129xf32, #tpu.memory_space<vmem>>
        tpu.vector_store_idx %parallel_loop3A_560[%shift_right_arithmetic3A_25, %and3A_48, %parallel_loop3A_508], %parallel_loop3A_555 : memref<8x8x129xf32, #tpu.memory_space<vmem>>[vector<16xi32>, vector<16xi32>, vector<16xi32>], vector<16xf32>,
      } {sc.loop_unroll_factor = 4 : i64, sc.parallel_access}
      %add3A_398 = arith.constant 4 : i32
      %add3A_399 = arith.addi %add3A_364, %add3A_398 : i32
      %lt3A_400 = arith.constant 200 : i32
      %lt3A_401 = arith.cmpi slt, %add3A_399, %lt3A_400 : i32
      %convert_element_type3A_402 = arith.extui %lt3A_401 : i1 to i32
      %cond3A_403 = arith.constant 0 : i32
      %cond3A_404 = arith.cmpi ne, %convert_element_type3A_402, %cond3A_403 : i32
      scf.if %cond3A_404 {
        %add3A_507 = arith.constant 4 : i32
        %add3A_508 = arith.addi %add3A_364, %add3A_507 : i32
        %dma_start3A_509 = arith.constant 2 : i32
        %dma_start3A_510 = arith.constant 0 : i32
        %dma_start3A_511 = arith.constant 0 : i32
        %dma_start3A_512 = tpu.memref_slice %arg8[%dma_start3A_509, %dma_start3A_510, %dma_start3A_511] : memref<4x128x64xf32, #tpu.memory_space<vmem>> -> memref<1x128x64xf32, #tpu.memory_space<vmem>>
        %dma_start3A_513 = tpu.memref_squeeze %dma_start3A_512 : memref<1x128x64xf32, #tpu.memory_space<vmem>> -> memref<128x64xf32, #tpu.memory_space<vmem>>
        %dma_start3A_514 = arith.constant 0 : i32
        %dma_start3A_515 = tpu.memref_slice %arg6[%add3A_508, %dma_start3A_514] : memref<200x128xi32, #tpu.memory_space<vmem>> -> memref<1x128xi32, #tpu.memory_space<vmem>>
        %dma_start3A_516 = tpu.memref_squeeze %dma_start3A_515 : memref<1x128xi32, #tpu.memory_space<vmem>> -> memref<128xi32, #tpu.memory_space<vmem>>
        %dma_start3A_517 = arith.constant 0 : i32
        %dma_start3A_518 = arith.constant 0 : i32
        %dma_start3A_519 = tpu.memref_slice %arg3[%dma_start3A_517, %dma_start3A_518] : memref<100000x64xf32, #tpu.memory_space<hbm>> -> memref<100000x64xf32, #tpu.memory_space<hbm>>
        tpu.enqueue_indirect_dma source(%dma_start3A_519 : memref<100000x64xf32, #tpu.memory_space<hbm>>) target(%dma_start3A_513 : memref<128x64xf32, #tpu.memory_space<vmem>>) offsets(%dma_start3A_516 : memref<128xi32, #tpu.memory_space<vmem>>) semaphore(%arg12 : memref<!tpu.dma_semaphore, #tpu.memory_space<semaphore_mem>>)
      } else {
      }
      %dma_start3A_405 = arith.constant 2 : i32
      %dma_start3A_406 = arith.constant 0 : i32
      %dma_start3A_407 = arith.constant 0 : i32
      %dma_start3A_408 = arith.constant 0 : i32
      %dma_start3A_409 = tpu.memref_slice %arg9[%dma_start3A_405, %dma_start3A_406, %dma_start3A_407, %dma_start3A_408] : memref<4x8x8x129xf32, #tpu.memory_space<vmem>> -> memref<1x8x8x129xf32, #tpu.memory_space<vmem>>
      %dma_start3A_410 = tpu.memref_squeeze %dma_start3A_409 : memref<1x8x8x129xf32, #tpu.memory_space<vmem>> -> memref<8x8x129xf32, #tpu.memory_space<vmem>>
      %dma_start3A_411 = arith.constant 0 : i32
      %dma_start3A_412 = arith.constant 0 : i32
      %dma_start3A_413 = arith.constant 0 : i32
      %dma_start3A_414 = tpu.memref_slice %dma_start3A_410[%dma_start3A_411, %dma_start3A_412, %dma_start3A_413] : memref<8x8x129xf32, #tpu.memory_space<vmem>> -> memref<8x8x128xf32, #tpu.memory_space<vmem>>
      %dma_start3A_415 = arith.constant 0 : i32
      %dma_start3A_416 = arith.constant 0 : i32
      %dma_start3A_417 = arith.constant 0 : i32
      %dma_start3A_418 = tpu.memref_slice %arg5[%add3A_364, %dma_start3A_415, %add3A, %dma_start3A_416, %dma_start3A_417] : memref<200x8x32x8x128xf32, #tpu.memory_space<hbm>> -> memref<1x8x1x8x128xf32, #tpu.memory_space<hbm>>
      %dma_start3A_419 = tpu.memref_squeeze %dma_start3A_418 : memref<1x8x1x8x128xf32, #tpu.memory_space<hbm>> -> memref<8x8x128xf32, #tpu.memory_space<hbm>>
      %dma_start3A_420 = arith.constant 0 : i32
      %dma_start3A_421 = arith.constant 0 : i32
      %dma_start3A_422 = arith.constant 0 : i32
      %dma_start3A_423 = tpu.memref_slice %arg5[%add3A_364, %dma_start3A_420, %add3A, %dma_start3A_421, %dma_start3A_422] : memref<200x8x32x8x128xf32, #tpu.memory_space<hbm>> -> memref<1x8x1x8x128xf32, #tpu.memory_space<hbm>>
      %dma_start3A_424 = tpu.memref_squeeze %dma_start3A_423 : memref<1x8x1x8x128xf32, #tpu.memory_space<hbm>> -> memref<8x8x128xf32, #tpu.memory_space<hbm>>
      %dma_start3A_425 = arith.constant 0 : i32
      %dma_start3A_426 = arith.constant 0 : i32
      %dma_start3A_427 = arith.constant 0 : i32
      %dma_start3A_428 = tpu.memref_slice %arg9[%dma_start3A_405, %dma_start3A_425, %dma_start3A_426, %dma_start3A_427] : memref<4x8x8x129xf32, #tpu.memory_space<vmem>> -> memref<1x8x8x129xf32, #tpu.memory_space<vmem>>
      %dma_start3A_429 = tpu.memref_squeeze %dma_start3A_428 : memref<1x8x8x129xf32, #tpu.memory_space<vmem>> -> memref<8x8x129xf32, #tpu.memory_space<vmem>>
      %dma_start3A_430 = arith.constant 0 : i32
      %dma_start3A_431 = arith.constant 0 : i32
      %dma_start3A_432 = arith.constant 0 : i32
      %dma_start3A_433 = tpu.memref_slice %dma_start3A_429[%dma_start3A_430, %dma_start3A_431, %dma_start3A_432] : memref<8x8x129xf32, #tpu.memory_space<vmem>> -> memref<8x8x128xf32, #tpu.memory_space<vmem>>
      tpu.enqueue_dma source(%dma_start3A_433 : memref<8x8x128xf32, #tpu.memory_space<vmem>>) target(%dma_start3A_424 : memref<8x8x128xf32, #tpu.memory_space<hbm>>) target_semaphore(%arg16 : memref<!tpu.dma_semaphore, #tpu.memory_space<semaphore_mem>>)
      %mul3A_434 = arith.constant 4 : i32
      %mul3A_435 = arith.muli %scan3A_220, %mul3A_434 : i32
      %add3A_436 = arith.constant 3 : i32
      %add3A_437 = arith.addi %mul3A_435, %add3A_436 : i32
      %dma_wait3A_438 = arith.constant 3 : i32
      %dma_wait3A_439 = arith.constant 0 : i32
      %dma_wait3A_440 = arith.constant 0 : i32
      %dma_wait3A_441 = tpu.memref_slice %arg8[%dma_wait3A_438, %dma_wait3A_439, %dma_wait3A_440] : memref<4x128x64xf32, #tpu.memory_space<vmem>> -> memref<1x128x64xf32, #tpu.memory_space<vmem>>
      %dma_wait3A_442 = tpu.memref_squeeze %dma_wait3A_441 : memref<1x128x64xf32, #tpu.memory_space<vmem>> -> memref<128x64xf32, #tpu.memory_space<vmem>>
      %dma_wait3A_443 = arith.constant 0 : i32
      %dma_wait3A_444 = tpu.memref_slice %arg6[%add3A_437, %dma_wait3A_443] : memref<200x128xi32, #tpu.memory_space<vmem>> -> memref<1x128xi32, #tpu.memory_space<vmem>>
      %dma_wait3A_445 = tpu.memref_squeeze %dma_wait3A_444 : memref<1x128xi32, #tpu.memory_space<vmem>> -> memref<128xi32, #tpu.memory_space<vmem>>
      %dma_wait3A_446 = arith.constant 0 : i32
      %dma_wait3A_447 = arith.constant 0 : i32
      %dma_wait3A_448 = tpu.memref_slice %arg3[%dma_wait3A_446, %dma_wait3A_447] : memref<100000x64xf32, #tpu.memory_space<hbm>> -> memref<100000x64xf32, #tpu.memory_space<hbm>>
      tpu.wait_indirect_dma semaphore(%arg13 : memref<!tpu.dma_semaphore, #tpu.memory_space<semaphore_mem>>) src(%dma_wait3A_448 : memref<100000x64xf32, #tpu.memory_space<hbm>>) dst(%dma_wait3A_442 : memref<128x64xf32, #tpu.memory_space<vmem>>)
      %ge3A_449 = arith.constant 4 : i32
      %ge3A_450 = arith.cmpi sge, %add3A_437, %ge3A_449 : i32
      %convert_element_type3A_451 = arith.extui %ge3A_450 : i1 to i32
      %cond3A_452 = arith.constant 0 : i32
      %cond3A_453 = arith.cmpi ne, %convert_element_type3A_451, %cond3A_452 : i32
      scf.if %cond3A_453 {
        %dma_wait3A_507 = arith.constant 3 : i32
        %dma_wait3A_508 = arith.constant 0 : i32
        %dma_wait3A_509 = arith.constant 0 : i32
        %dma_wait3A_510 = arith.constant 0 : i32
        %dma_wait3A_511 = arith.constant 0 : i32
        %dma_wait3A_512 = tpu.memref_slice %arg9[%dma_wait3A_507, %dma_wait3A_509, %dma_wait3A_510, %dma_wait3A_511] : memref<4x8x8x129xf32, #tpu.memory_space<vmem>> -> memref<1x8x8x129xf32, #tpu.memory_space<vmem>>
        %dma_wait3A_513 = tpu.memref_squeeze %dma_wait3A_512 : memref<1x8x8x129xf32, #tpu.memory_space<vmem>> -> memref<8x8x129xf32, #tpu.memory_space<vmem>>
        %dma_wait3A_514 = arith.constant 0 : i32
        %dma_wait3A_515 = arith.constant 0 : i32
        %dma_wait3A_516 = arith.constant 0 : i32
        %dma_wait3A_517 = tpu.memref_slice %dma_wait3A_513[%dma_wait3A_514, %dma_wait3A_515, %dma_wait3A_516] : memref<8x8x129xf32, #tpu.memory_space<vmem>> -> memref<8x8x128xf32, #tpu.memory_space<vmem>>
        %dma_wait3A_518 = arith.constant 0 : i32
        %dma_wait3A_519 = arith.constant 0 : i32
        %dma_wait3A_520 = arith.constant 0 : i32
        %dma_wait3A_521 = tpu.memref_slice %arg5[%dma_wait3A_508, %dma_wait3A_518, %add3A, %dma_wait3A_519, %dma_wait3A_520] : memref<200x8x32x8x128xf32, #tpu.memory_space<hbm>> -> memref<1x8x1x8x128xf32, #tpu.memory_space<hbm>>
        %dma_wait3A_522 = tpu.memref_squeeze %dma_wait3A_521 : memref<1x8x1x8x128xf32, #tpu.memory_space<hbm>> -> memref<8x8x128xf32, #tpu.memory_space<hbm>>
        %dma_wait3A_523 = arith.constant 0 : i32
        %dma_wait3A_524 = arith.constant 0 : i32
        %dma_wait3A_525 = arith.constant 0 : i32
        %dma_wait3A_526 = tpu.memref_slice %arg5[%dma_wait3A_508, %dma_wait3A_523, %add3A, %dma_wait3A_524, %dma_wait3A_525] : memref<200x8x32x8x128xf32, #tpu.memory_space<hbm>> -> memref<1x8x1x8x128xf32, #tpu.memory_space<hbm>>
        %dma_wait3A_527 = tpu.memref_squeeze %dma_wait3A_526 : memref<1x8x1x8x128xf32, #tpu.memory_space<hbm>> -> memref<8x8x128xf32, #tpu.memory_space<hbm>>
        %dma_wait3A_528 = arith.constant 0 : i32
        %dma_wait3A_529 = arith.constant 0 : i32
        %dma_wait3A_530 = arith.constant 0 : i32
        %dma_wait3A_531 = tpu.memref_slice %arg9[%dma_wait3A_507, %dma_wait3A_528, %dma_wait3A_529, %dma_wait3A_530] : memref<4x8x8x129xf32, #tpu.memory_space<vmem>> -> memref<1x8x8x129xf32, #tpu.memory_space<vmem>>
        %dma_wait3A_532 = tpu.memref_squeeze %dma_wait3A_531 : memref<1x8x8x129xf32, #tpu.memory_space<vmem>> -> memref<8x8x129xf32, #tpu.memory_space<vmem>>
        %dma_wait3A_533 = arith.constant 0 : i32
        %dma_wait3A_534 = arith.constant 0 : i32
        %dma_wait3A_535 = arith.constant 0 : i32
        %dma_wait3A_536 = tpu.memref_slice %dma_wait3A_532[%dma_wait3A_533, %dma_wait3A_534, %dma_wait3A_535] : memref<8x8x129xf32, #tpu.memory_space<vmem>> -> memref<8x8x128xf32, #tpu.memory_space<vmem>>
        tpu.wait_dma2 semaphore(%arg17 : memref<!tpu.dma_semaphore, #tpu.memory_space<semaphore_mem>>) src(%dma_wait3A_536 : memref<8x8x128xf32, #tpu.memory_space<vmem>>) dst(%dma_wait3A_527 : memref<8x8x128xf32, #tpu.memory_space<hbm>>)
      } else {
      }
      %get3A_454 = arith.index_cast %add3A_437 : i32 to index
      %get3A_455 = arith.constant 0 : index
      %get3A_456 = tpu.vector_load %arg7[%get3A_454, %get3A_455] {strides = array<i32>} : memref<200x64xf32, #tpu.memory_space<vmem>>, vector<16xf32>,
      %get3A_457 = arith.index_cast %add3A_437 : i32 to index
      %get3A_458 = arith.constant 16 : index
      %get3A_459 = tpu.vector_load %arg7[%get3A_457, %get3A_458] {strides = array<i32>} : memref<200x64xf32, #tpu.memory_space<vmem>>, vector<16xf32>,
      %get3A_460 = arith.index_cast %add3A_437 : i32 to index
      %get3A_461 = arith.constant 32 : index
      %get3A_462 = tpu.vector_load %arg7[%get3A_460, %get3A_461] {strides = array<i32>} : memref<200x64xf32, #tpu.memory_space<vmem>>, vector<16xf32>,
      %get3A_463 = arith.index_cast %add3A_437 : i32 to index
      %get3A_464 = arith.constant 48 : index
      %get3A_465 = tpu.vector_load %arg7[%get3A_463, %get3A_464] {strides = array<i32>} : memref<200x64xf32, #tpu.memory_space<vmem>>, vector<16xf32>,
      %parallel_loop3A_466 = arith.constant 0 : i32
      %parallel_loop3A_467 = arith.constant 128 : i32
      %parallel_loop3A_468 = arith.constant 1 : i32
      %parallel_loop3A_469 = arith.constant 3 : i32
      %parallel_loop3A_470 = arith.constant 3 : i32
      scf.for %parallel_loop3A_507 = %parallel_loop3A_466 to %parallel_loop3A_467 step %parallel_loop3A_468  : i32 {
        %parallel_loop3A_508 = vector.broadcast %parallel_loop3A_507 : i32 to vector<16xi32>
        %parallel_loop3A_509 = arith.constant 0 : i32
        %parallel_loop3A_510 = arith.constant 0 : i32
        %parallel_loop3A_511 = tpu.memref_slice %arg8[%parallel_loop3A_469, %parallel_loop3A_509, %parallel_loop3A_510] : memref<4x128x64xf32, #tpu.memory_space<vmem>> -> memref<1x128x64xf32, #tpu.memory_space<vmem>>
        %parallel_loop3A_512 = tpu.memref_squeeze %parallel_loop3A_511 : memref<1x128x64xf32, #tpu.memory_space<vmem>> -> memref<128x64xf32, #tpu.memory_space<vmem>>
        %parallel_loop3A_513 = arith.index_cast %parallel_loop3A_507 : i32 to index
        %parallel_loop3A_514 = arith.constant 0 : index
        %parallel_loop3A_515 = tpu.vector_load %parallel_loop3A_512[%parallel_loop3A_513, %parallel_loop3A_514] {strides = array<i32>} : memref<128x64xf32, #tpu.memory_space<vmem>>, vector<16xf32>,
        %parallel_loop3A_516 = arith.addf %parallel_loop3A_515, %get3A_456 : vector<16xf32>
        %parallel_loop3A_517 = arith.constant 0 : i32
        %parallel_loop3A_518 = arith.constant 0 : i32
        %parallel_loop3A_519 = arith.constant 0 : i32
        %parallel_loop3A_520 = tpu.memref_slice %arg9[%parallel_loop3A_470, %parallel_loop3A_517, %parallel_loop3A_518, %parallel_loop3A_519] : memref<4x8x8x129xf32, #tpu.memory_space<vmem>> -> memref<1x8x8x129xf32, #tpu.memory_space<vmem>>
        %parallel_loop3A_521 = tpu.memref_squeeze %parallel_loop3A_520 : memref<1x8x8x129xf32, #tpu.memory_space<vmem>> -> memref<8x8x129xf32, #tpu.memory_space<vmem>>
        tpu.vector_store_idx %parallel_loop3A_521[%shift_right_arithmetic3A_7, %and3A_30, %parallel_loop3A_508], %parallel_loop3A_516 : memref<8x8x129xf32, #tpu.memory_space<vmem>>[vector<16xi32>, vector<16xi32>, vector<16xi32>], vector<16xf32>,
        %parallel_loop3A_522 = arith.constant 0 : i32
        %parallel_loop3A_523 = arith.constant 0 : i32
        %parallel_loop3A_524 = tpu.memref_slice %arg8[%parallel_loop3A_469, %parallel_loop3A_522, %parallel_loop3A_523] : memref<4x128x64xf32, #tpu.memory_space<vmem>> -> memref<1x128x64xf32, #tpu.memory_space<vmem>>
        %parallel_loop3A_525 = tpu.memref_squeeze %parallel_loop3A_524 : memref<1x128x64xf32, #tpu.memory_space<vmem>> -> memref<128x64xf32, #tpu.memory_space<vmem>>
        %parallel_loop3A_526 = arith.index_cast %parallel_loop3A_507 : i32 to index
        %parallel_loop3A_527 = arith.constant 16 : index
        %parallel_loop3A_528 = tpu.vector_load %parallel_loop3A_525[%parallel_loop3A_526, %parallel_loop3A_527] {strides = array<i32>} : memref<128x64xf32, #tpu.memory_space<vmem>>, vector<16xf32>,
        %parallel_loop3A_529 = arith.addf %parallel_loop3A_528, %get3A_459 : vector<16xf32>
        %parallel_loop3A_530 = arith.constant 0 : i32
        %parallel_loop3A_531 = arith.constant 0 : i32
        %parallel_loop3A_532 = arith.constant 0 : i32
        %parallel_loop3A_533 = tpu.memref_slice %arg9[%parallel_loop3A_470, %parallel_loop3A_530, %parallel_loop3A_531, %parallel_loop3A_532] : memref<4x8x8x129xf32, #tpu.memory_space<vmem>> -> memref<1x8x8x129xf32, #tpu.memory_space<vmem>>
        %parallel_loop3A_534 = tpu.memref_squeeze %parallel_loop3A_533 : memref<1x8x8x129xf32, #tpu.memory_space<vmem>> -> memref<8x8x129xf32, #tpu.memory_space<vmem>>
        tpu.vector_store_idx %parallel_loop3A_534[%shift_right_arithmetic3A_13, %and3A_36, %parallel_loop3A_508], %parallel_loop3A_529 : memref<8x8x129xf32, #tpu.memory_space<vmem>>[vector<16xi32>, vector<16xi32>, vector<16xi32>], vector<16xf32>,
        %parallel_loop3A_535 = arith.constant 0 : i32
        %parallel_loop3A_536 = arith.constant 0 : i32
        %parallel_loop3A_537 = tpu.memref_slice %arg8[%parallel_loop3A_469, %parallel_loop3A_535, %parallel_loop3A_536] : memref<4x128x64xf32, #tpu.memory_space<vmem>> -> memref<1x128x64xf32, #tpu.memory_space<vmem>>
        %parallel_loop3A_538 = tpu.memref_squeeze %parallel_loop3A_537 : memref<1x128x64xf32, #tpu.memory_space<vmem>> -> memref<128x64xf32, #tpu.memory_space<vmem>>
        %parallel_loop3A_539 = arith.index_cast %parallel_loop3A_507 : i32 to index
        %parallel_loop3A_540 = arith.constant 32 : index
        %parallel_loop3A_541 = tpu.vector_load %parallel_loop3A_538[%parallel_loop3A_539, %parallel_loop3A_540] {strides = array<i32>} : memref<128x64xf32, #tpu.memory_space<vmem>>, vector<16xf32>,
        %parallel_loop3A_542 = arith.addf %parallel_loop3A_541, %get3A_462 : vector<16xf32>
        %parallel_loop3A_543 = arith.constant 0 : i32
        %parallel_loop3A_544 = arith.constant 0 : i32
        %parallel_loop3A_545 = arith.constant 0 : i32
        %parallel_loop3A_546 = tpu.memref_slice %arg9[%parallel_loop3A_470, %parallel_loop3A_543, %parallel_loop3A_544, %parallel_loop3A_545] : memref<4x8x8x129xf32, #tpu.memory_space<vmem>> -> memref<1x8x8x129xf32, #tpu.memory_space<vmem>>
        %parallel_loop3A_547 = tpu.memref_squeeze %parallel_loop3A_546 : memref<1x8x8x129xf32, #tpu.memory_space<vmem>> -> memref<8x8x129xf32, #tpu.memory_space<vmem>>
        tpu.vector_store_idx %parallel_loop3A_547[%shift_right_arithmetic3A_19, %and3A_42, %parallel_loop3A_508], %parallel_loop3A_542 : memref<8x8x129xf32, #tpu.memory_space<vmem>>[vector<16xi32>, vector<16xi32>, vector<16xi32>], vector<16xf32>,
        %parallel_loop3A_548 = arith.constant 0 : i32
        %parallel_loop3A_549 = arith.constant 0 : i32
        %parallel_loop3A_550 = tpu.memref_slice %arg8[%parallel_loop3A_469, %parallel_loop3A_548, %parallel_loop3A_549] : memref<4x128x64xf32, #tpu.memory_space<vmem>> -> memref<1x128x64xf32, #tpu.memory_space<vmem>>
        %parallel_loop3A_551 = tpu.memref_squeeze %parallel_loop3A_550 : memref<1x128x64xf32, #tpu.memory_space<vmem>> -> memref<128x64xf32, #tpu.memory_space<vmem>>
        %parallel_loop3A_552 = arith.index_cast %parallel_loop3A_507 : i32 to index
        %parallel_loop3A_553 = arith.constant 48 : index
        %parallel_loop3A_554 = tpu.vector_load %parallel_loop3A_551[%parallel_loop3A_552, %parallel_loop3A_553] {strides = array<i32>} : memref<128x64xf32, #tpu.memory_space<vmem>>, vector<16xf32>,
        %parallel_loop3A_555 = arith.addf %parallel_loop3A_554, %get3A_465 : vector<16xf32>
        %parallel_loop3A_556 = arith.constant 0 : i32
        %parallel_loop3A_557 = arith.constant 0 : i32
        %parallel_loop3A_558 = arith.constant 0 : i32
        %parallel_loop3A_559 = tpu.memref_slice %arg9[%parallel_loop3A_470, %parallel_loop3A_556, %parallel_loop3A_557, %parallel_loop3A_558] : memref<4x8x8x129xf32, #tpu.memory_space<vmem>> -> memref<1x8x8x129xf32, #tpu.memory_space<vmem>>
        %parallel_loop3A_560 = tpu.memref_squeeze %parallel_loop3A_559 : memref<1x8x8x129xf32, #tpu.memory_space<vmem>> -> memref<8x8x129xf32, #tpu.memory_space<vmem>>
        tpu.vector_store_idx %parallel_loop3A_560[%shift_right_arithmetic3A_25, %and3A_48, %parallel_loop3A_508], %parallel_loop3A_555 : memref<8x8x129xf32, #tpu.memory_space<vmem>>[vector<16xi32>, vector<16xi32>, vector<16xi32>], vector<16xf32>,
      } {sc.loop_unroll_factor = 4 : i64, sc.parallel_access}
      %add3A_471 = arith.constant 4 : i32
      %add3A_472 = arith.addi %add3A_437, %add3A_471 : i32
      %lt3A_473 = arith.constant 200 : i32
      %lt3A_474 = arith.cmpi slt, %add3A_472, %lt3A_473 : i32
      %convert_element_type3A_475 = arith.extui %lt3A_474 : i1 to i32
      %cond3A_476 = arith.constant 0 : i32
      %cond3A_477 = arith.cmpi ne, %convert_element_type3A_475, %cond3A_476 : i32
      scf.if %cond3A_477 {
        %add3A_507 = arith.constant 4 : i32
        %add3A_508 = arith.addi %add3A_437, %add3A_507 : i32
        %dma_start3A_509 = arith.constant 3 : i32
        %dma_start3A_510 = arith.constant 0 : i32
        %dma_start3A_511 = arith.constant 0 : i32
        %dma_start3A_512 = tpu.memref_slice %arg8[%dma_start3A_509, %dma_start3A_510, %dma_start3A_511] : memref<4x128x64xf32, #tpu.memory_space<vmem>> -> memref<1x128x64xf32, #tpu.memory_space<vmem>>
        %dma_start3A_513 = tpu.memref_squeeze %dma_start3A_512 : memref<1x128x64xf32, #tpu.memory_space<vmem>> -> memref<128x64xf32, #tpu.memory_space<vmem>>
        %dma_start3A_514 = arith.constant 0 : i32
        %dma_start3A_515 = tpu.memref_slice %arg6[%add3A_508, %dma_start3A_514] : memref<200x128xi32, #tpu.memory_space<vmem>> -> memref<1x128xi32, #tpu.memory_space<vmem>>
        %dma_start3A_516 = tpu.memref_squeeze %dma_start3A_515 : memref<1x128xi32, #tpu.memory_space<vmem>> -> memref<128xi32, #tpu.memory_space<vmem>>
        %dma_start3A_517 = arith.constant 0 : i32
        %dma_start3A_518 = arith.constant 0 : i32
        %dma_start3A_519 = tpu.memref_slice %arg3[%dma_start3A_517, %dma_start3A_518] : memref<100000x64xf32, #tpu.memory_space<hbm>> -> memref<100000x64xf32, #tpu.memory_space<hbm>>
        tpu.enqueue_indirect_dma source(%dma_start3A_519 : memref<100000x64xf32, #tpu.memory_space<hbm>>) target(%dma_start3A_513 : memref<128x64xf32, #tpu.memory_space<vmem>>) offsets(%dma_start3A_516 : memref<128xi32, #tpu.memory_space<vmem>>) semaphore(%arg13 : memref<!tpu.dma_semaphore, #tpu.memory_space<semaphore_mem>>)
      } else {
      }
      %dma_start3A_478 = arith.constant 3 : i32
      %dma_start3A_479 = arith.constant 0 : i32
      %dma_start3A_480 = arith.constant 0 : i32
      %dma_start3A_481 = arith.constant 0 : i32
      %dma_start3A_482 = tpu.memref_slice %arg9[%dma_start3A_478, %dma_start3A_479, %dma_start3A_480, %dma_start3A_481] : memref<4x8x8x129xf32, #tpu.memory_space<vmem>> -> memref<1x8x8x129xf32, #tpu.memory_space<vmem>>
      %dma_start3A_483 = tpu.memref_squeeze %dma_start3A_482 : memref<1x8x8x129xf32, #tpu.memory_space<vmem>> -> memref<8x8x129xf32, #tpu.memory_space<vmem>>
      %dma_start3A_484 = arith.constant 0 : i32
      %dma_start3A_485 = arith.constant 0 : i32
      %dma_start3A_486 = arith.constant 0 : i32
      %dma_start3A_487 = tpu.memref_slice %dma_start3A_483[%dma_start3A_484, %dma_start3A_485, %dma_start3A_486] : memref<8x8x129xf32, #tpu.memory_space<vmem>> -> memref<8x8x128xf32, #tpu.memory_space<vmem>>
      %dma_start3A_488 = arith.constant 0 : i32
      %dma_start3A_489 = arith.constant 0 : i32
      %dma_start3A_490 = arith.constant 0 : i32
      %dma_start3A_491 = tpu.memref_slice %arg5[%add3A_437, %dma_start3A_488, %add3A, %dma_start3A_489, %dma_start3A_490] : memref<200x8x32x8x128xf32, #tpu.memory_space<hbm>> -> memref<1x8x1x8x128xf32, #tpu.memory_space<hbm>>
      %dma_start3A_492 = tpu.memref_squeeze %dma_start3A_491 : memref<1x8x1x8x128xf32, #tpu.memory_space<hbm>> -> memref<8x8x128xf32, #tpu.memory_space<hbm>>
      %dma_start3A_493 = arith.constant 0 : i32
      %dma_start3A_494 = arith.constant 0 : i32
      %dma_start3A_495 = arith.constant 0 : i32
      %dma_start3A_496 = tpu.memref_slice %arg5[%add3A_437, %dma_start3A_493, %add3A, %dma_start3A_494, %dma_start3A_495] : memref<200x8x32x8x128xf32, #tpu.memory_space<hbm>> -> memref<1x8x1x8x128xf32, #tpu.memory_space<hbm>>
      %dma_start3A_497 = tpu.memref_squeeze %dma_start3A_496 : memref<1x8x1x8x128xf32, #tpu.memory_space<hbm>> -> memref<8x8x128xf32, #tpu.memory_space<hbm>>
      %dma_start3A_498 = arith.constant 0 : i32
      %dma_start3A_499 = arith.constant 0 : i32
      %dma_start3A_500 = arith.constant 0 : i32
      %dma_start3A_501 = tpu.memref_slice %arg9[%dma_start3A_478, %dma_start3A_498, %dma_start3A_499, %dma_start3A_500] : memref<4x8x8x129xf32, #tpu.memory_space<vmem>> -> memref<1x8x8x129xf32, #tpu.memory_space<vmem>>
      %dma_start3A_502 = tpu.memref_squeeze %dma_start3A_501 : memref<1x8x8x129xf32, #tpu.memory_space<vmem>> -> memref<8x8x129xf32, #tpu.memory_space<vmem>>
      %dma_start3A_503 = arith.constant 0 : i32
      %dma_start3A_504 = arith.constant 0 : i32
      %dma_start3A_505 = arith.constant 0 : i32
      %dma_start3A_506 = tpu.memref_slice %dma_start3A_502[%dma_start3A_503, %dma_start3A_504, %dma_start3A_505] : memref<8x8x129xf32, #tpu.memory_space<vmem>> -> memref<8x8x128xf32, #tpu.memory_space<vmem>>
      tpu.enqueue_dma source(%dma_start3A_506 : memref<8x8x128xf32, #tpu.memory_space<vmem>>) target(%dma_start3A_497 : memref<8x8x128xf32, #tpu.memory_space<hbm>>) target_semaphore(%arg17 : memref<!tpu.dma_semaphore, #tpu.memory_space<semaphore_mem>>)
    }
    %scan3A_100 = arith.constant 50 : i32
    %dma_wait3A = arith.constant 0 : i32
    %dma_wait3A_101 = arith.constant 0 : i32
    %dma_wait3A_102 = arith.constant 0 : i32
    %dma_wait3A_103 = arith.constant 0 : i32
    %dma_wait3A_104 = arith.constant 0 : i32
    %dma_wait3A_105 = tpu.memref_slice %arg9[%dma_wait3A, %dma_wait3A_102, %dma_wait3A_103, %dma_wait3A_104] : memref<4x8x8x129xf32, #tpu.memory_space<vmem>> -> memref<1x8x8x129xf32, #tpu.memory_space<vmem>>
    %dma_wait3A_106 = tpu.memref_squeeze %dma_wait3A_105 : memref<1x8x8x129xf32, #tpu.memory_space<vmem>> -> memref<8x8x129xf32, #tpu.memory_space<vmem>>
    %dma_wait3A_107 = arith.constant 0 : i32
    %dma_wait3A_108 = arith.constant 0 : i32
    %dma_wait3A_109 = arith.constant 0 : i32
    %dma_wait3A_110 = tpu.memref_slice %dma_wait3A_106[%dma_wait3A_107, %dma_wait3A_108, %dma_wait3A_109] : memref<8x8x129xf32, #tpu.memory_space<vmem>> -> memref<8x8x128xf32, #tpu.memory_space<vmem>>
    %dma_wait3A_111 = arith.constant 0 : i32
    %dma_wait3A_112 = arith.constant 0 : i32
    %dma_wait3A_113 = arith.constant 0 : i32
    %dma_wait3A_114 = tpu.memref_slice %arg5[%dma_wait3A_101, %dma_wait3A_111, %add3A, %dma_wait3A_112, %dma_wait3A_113] : memref<200x8x32x8x128xf32, #tpu.memory_space<hbm>> -> memref<1x8x1x8x128xf32, #tpu.memory_space<hbm>>
    %dma_wait3A_115 = tpu.memref_squeeze %dma_wait3A_114 : memref<1x8x1x8x128xf32, #tpu.memory_space<hbm>> -> memref<8x8x128xf32, #tpu.memory_space<hbm>>
    %dma_wait3A_116 = arith.constant 0 : i32
    %dma_wait3A_117 = arith.constant 0 : i32
    %dma_wait3A_118 = arith.constant 0 : i32
    %dma_wait3A_119 = tpu.memref_slice %arg5[%dma_wait3A_101, %dma_wait3A_116, %add3A, %dma_wait3A_117, %dma_wait3A_118] : memref<200x8x32x8x128xf32, #tpu.memory_space<hbm>> -> memref<1x8x1x8x128xf32, #tpu.memory_space<hbm>>
    %dma_wait3A_120 = tpu.memref_squeeze %dma_wait3A_119 : memref<1x8x1x8x128xf32, #tpu.memory_space<hbm>> -> memref<8x8x128xf32, #tpu.memory_space<hbm>>
    %dma_wait3A_121 = arith.constant 0 : i32
    %dma_wait3A_122 = arith.constant 0 : i32
    %dma_wait3A_123 = arith.constant 0 : i32
    %dma_wait3A_124 = tpu.memref_slice %arg9[%dma_wait3A, %dma_wait3A_121, %dma_wait3A_122, %dma_wait3A_123] : memref<4x8x8x129xf32, #tpu.memory_space<vmem>> -> memref<1x8x8x129xf32, #tpu.memory_space<vmem>>
    %dma_wait3A_125 = tpu.memref_squeeze %dma_wait3A_124 : memref<1x8x8x129xf32, #tpu.memory_space<vmem>> -> memref<8x8x129xf32, #tpu.memory_space<vmem>>
    %dma_wait3A_126 = arith.constant 0 : i32
    %dma_wait3A_127 = arith.constant 0 : i32
    %dma_wait3A_128 = arith.constant 0 : i32
    %dma_wait3A_129 = tpu.memref_slice %dma_wait3A_125[%dma_wait3A_126, %dma_wait3A_127, %dma_wait3A_128] : memref<8x8x129xf32, #tpu.memory_space<vmem>> -> memref<8x8x128xf32, #tpu.memory_space<vmem>>
    tpu.wait_dma2 semaphore(%arg14 : memref<!tpu.dma_semaphore, #tpu.memory_space<semaphore_mem>>) src(%dma_wait3A_129 : memref<8x8x128xf32, #tpu.memory_space<vmem>>) dst(%dma_wait3A_120 : memref<8x8x128xf32, #tpu.memory_space<hbm>>)
    %dma_wait3A_130 = arith.constant 1 : i32
    %dma_wait3A_131 = arith.constant 0 : i32
    %dma_wait3A_132 = arith.constant 0 : i32
    %dma_wait3A_133 = arith.constant 0 : i32
    %dma_wait3A_134 = arith.constant 0 : i32
    %dma_wait3A_135 = tpu.memref_slice %arg9[%dma_wait3A_130, %dma_wait3A_132, %dma_wait3A_133, %dma_wait3A_134] : memref<4x8x8x129xf32, #tpu.memory_space<vmem>> -> memref<1x8x8x129xf32, #tpu.memory_space<vmem>>
    %dma_wait3A_136 = tpu.memref_squeeze %dma_wait3A_135 : memref<1x8x8x129xf32, #tpu.memory_space<vmem>> -> memref<8x8x129xf32, #tpu.memory_space<vmem>>
    %dma_wait3A_137 = arith.constant 0 : i32
    %dma_wait3A_138 = arith.constant 0 : i32
    %dma_wait3A_139 = arith.constant 0 : i32
    %dma_wait3A_140 = tpu.memref_slice %dma_wait3A_136[%dma_wait3A_137, %dma_wait3A_138, %dma_wait3A_139] : memref<8x8x129xf32, #tpu.memory_space<vmem>> -> memref<8x8x128xf32, #tpu.memory_space<vmem>>
    %dma_wait3A_141 = arith.constant 0 : i32
    %dma_wait3A_142 = arith.constant 0 : i32
    %dma_wait3A_143 = arith.constant 0 : i32
    %dma_wait3A_144 = tpu.memref_slice %arg5[%dma_wait3A_131, %dma_wait3A_141, %add3A, %dma_wait3A_142, %dma_wait3A_143] : memref<200x8x32x8x128xf32, #tpu.memory_space<hbm>> -> memref<1x8x1x8x128xf32, #tpu.memory_space<hbm>>
    %dma_wait3A_145 = tpu.memref_squeeze %dma_wait3A_144 : memref<1x8x1x8x128xf32, #tpu.memory_space<hbm>> -> memref<8x8x128xf32, #tpu.memory_space<hbm>>
    %dma_wait3A_146 = arith.constant 0 : i32
    %dma_wait3A_147 = arith.constant 0 : i32
    %dma_wait3A_148 = arith.constant 0 : i32
    %dma_wait3A_149 = tpu.memref_slice %arg5[%dma_wait3A_131, %dma_wait3A_146, %add3A, %dma_wait3A_147, %dma_wait3A_148] : memref<200x8x32x8x128xf32, #tpu.memory_space<hbm>> -> memref<1x8x1x8x128xf32, #tpu.memory_space<hbm>>
    %dma_wait3A_150 = tpu.memref_squeeze %dma_wait3A_149 : memref<1x8x1x8x128xf32, #tpu.memory_space<hbm>> -> memref<8x8x128xf32, #tpu.memory_space<hbm>>
    %dma_wait3A_151 = arith.constant 0 : i32
    %dma_wait3A_152 = arith.constant 0 : i32
    %dma_wait3A_153 = arith.constant 0 : i32
    %dma_wait3A_154 = tpu.memref_slice %arg9[%dma_wait3A_130, %dma_wait3A_151, %dma_wait3A_152, %dma_wait3A_153] : memref<4x8x8x129xf32, #tpu.memory_space<vmem>> -> memref<1x8x8x129xf32, #tpu.memory_space<vmem>>
    %dma_wait3A_155 = tpu.memref_squeeze %dma_wait3A_154 : memref<1x8x8x129xf32, #tpu.memory_space<vmem>> -> memref<8x8x129xf32, #tpu.memory_space<vmem>>
    %dma_wait3A_156 = arith.constant 0 : i32
    %dma_wait3A_157 = arith.constant 0 : i32
    %dma_wait3A_158 = arith.constant 0 : i32
    %dma_wait3A_159 = tpu.memref_slice %dma_wait3A_155[%dma_wait3A_156, %dma_wait3A_157, %dma_wait3A_158] : memref<8x8x129xf32, #tpu.memory_space<vmem>> -> memref<8x8x128xf32, #tpu.memory_space<vmem>>
    tpu.wait_dma2 semaphore(%arg15 : memref<!tpu.dma_semaphore, #tpu.memory_space<semaphore_mem>>) src(%dma_wait3A_159 : memref<8x8x128xf32, #tpu.memory_space<vmem>>) dst(%dma_wait3A_150 : memref<8x8x128xf32, #tpu.memory_space<hbm>>)
    %dma_wait3A_160 = arith.constant 2 : i32
    %dma_wait3A_161 = arith.constant 0 : i32
    %dma_wait3A_162 = arith.constant 0 : i32
    %dma_wait3A_163 = arith.constant 0 : i32
    %dma_wait3A_164 = arith.constant 0 : i32
    %dma_wait3A_165 = tpu.memref_slice %arg9[%dma_wait3A_160, %dma_wait3A_162, %dma_wait3A_163, %dma_wait3A_164] : memref<4x8x8x129xf32, #tpu.memory_space<vmem>> -> memref<1x8x8x129xf32, #tpu.memory_space<vmem>>
    %dma_wait3A_166 = tpu.memref_squeeze %dma_wait3A_165 : memref<1x8x8x129xf32, #tpu.memory_space<vmem>> -> memref<8x8x129xf32, #tpu.memory_space<vmem>>
    %dma_wait3A_167 = arith.constant 0 : i32
    %dma_wait3A_168 = arith.constant 0 : i32
    %dma_wait3A_169 = arith.constant 0 : i32
    %dma_wait3A_170 = tpu.memref_slice %dma_wait3A_166[%dma_wait3A_167, %dma_wait3A_168, %dma_wait3A_169] : memref<8x8x129xf32, #tpu.memory_space<vmem>> -> memref<8x8x128xf32, #tpu.memory_space<vmem>>
    %dma_wait3A_171 = arith.constant 0 : i32
    %dma_wait3A_172 = arith.constant 0 : i32
    %dma_wait3A_173 = arith.constant 0 : i32
    %dma_wait3A_174 = tpu.memref_slice %arg5[%dma_wait3A_161, %dma_wait3A_171, %add3A, %dma_wait3A_172, %dma_wait3A_173] : memref<200x8x32x8x128xf32, #tpu.memory_space<hbm>> -> memref<1x8x1x8x128xf32, #tpu.memory_space<hbm>>
    %dma_wait3A_175 = tpu.memref_squeeze %dma_wait3A_174 : memref<1x8x1x8x128xf32, #tpu.memory_space<hbm>> -> memref<8x8x128xf32, #tpu.memory_space<hbm>>
    %dma_wait3A_176 = arith.constant 0 : i32
    %dma_wait3A_177 = arith.constant 0 : i32
    %dma_wait3A_178 = arith.constant 0 : i32
    %dma_wait3A_179 = tpu.memref_slice %arg5[%dma_wait3A_161, %dma_wait3A_176, %add3A, %dma_wait3A_177, %dma_wait3A_178] : memref<200x8x32x8x128xf32, #tpu.memory_space<hbm>> -> memref<1x8x1x8x128xf32, #tpu.memory_space<hbm>>
    %dma_wait3A_180 = tpu.memref_squeeze %dma_wait3A_179 : memref<1x8x1x8x128xf32, #tpu.memory_space<hbm>> -> memref<8x8x128xf32, #tpu.memory_space<hbm>>
    %dma_wait3A_181 = arith.constant 0 : i32
    %dma_wait3A_182 = arith.constant 0 : i32
    %dma_wait3A_183 = arith.constant 0 : i32
    %dma_wait3A_184 = tpu.memref_slice %arg9[%dma_wait3A_160, %dma_wait3A_181, %dma_wait3A_182, %dma_wait3A_183] : memref<4x8x8x129xf32, #tpu.memory_space<vmem>> -> memref<1x8x8x129xf32, #tpu.memory_space<vmem>>
    %dma_wait3A_185 = tpu.memref_squeeze %dma_wait3A_184 : memref<1x8x8x129xf32, #tpu.memory_space<vmem>> -> memref<8x8x129xf32, #tpu.memory_space<vmem>>
    %dma_wait3A_186 = arith.constant 0 : i32
    %dma_wait3A_187 = arith.constant 0 : i32
    %dma_wait3A_188 = arith.constant 0 : i32
    %dma_wait3A_189 = tpu.memref_slice %dma_wait3A_185[%dma_wait3A_186, %dma_wait3A_187, %dma_wait3A_188] : memref<8x8x129xf32, #tpu.memory_space<vmem>> -> memref<8x8x128xf32, #tpu.memory_space<vmem>>
    tpu.wait_dma2 semaphore(%arg16 : memref<!tpu.dma_semaphore, #tpu.memory_space<semaphore_mem>>) src(%dma_wait3A_189 : memref<8x8x128xf32, #tpu.memory_space<vmem>>) dst(%dma_wait3A_180 : memref<8x8x128xf32, #tpu.memory_space<hbm>>)
    %dma_wait3A_190 = arith.constant 3 : i32
    %dma_wait3A_191 = arith.constant 0 : i32
    %dma_wait3A_192 = arith.constant 0 : i32
    %dma_wait3A_193 = arith.constant 0 : i32
    %dma_wait3A_194 = arith.constant 0 : i32
    %dma_wait3A_195 = tpu.memref_slice %arg9[%dma_wait3A_190, %dma_wait3A_192, %dma_wait3A_193, %dma_wait3A_194] : memref<4x8x8x129xf32, #tpu.memory_space<vmem>> -> memref<1x8x8x129xf32, #tpu.memory_space<vmem>>
    %dma_wait3A_196 = tpu.memref_squeeze %dma_wait3A_195 : memref<1x8x8x129xf32, #tpu.memory_space<vmem>> -> memref<8x8x129xf32, #tpu.memory_space<vmem>>
    %dma_wait3A_197 = arith.constant 0 : i32
    %dma_wait3A_198 = arith.constant 0 : i32
    %dma_wait3A_199 = arith.constant 0 : i32
    %dma_wait3A_200 = tpu.memref_slice %dma_wait3A_196[%dma_wait3A_197, %dma_wait3A_198, %dma_wait3A_199] : memref<8x8x129xf32, #tpu.memory_space<vmem>> -> memref<8x8x128xf32, #tpu.memory_space<vmem>>
    %dma_wait3A_201 = arith.constant 0 : i32
    %dma_wait3A_202 = arith.constant 0 : i32
    %dma_wait3A_203 = arith.constant 0 : i32
    %dma_wait3A_204 = tpu.memref_slice %arg5[%dma_wait3A_191, %dma_wait3A_201, %add3A, %dma_wait3A_202, %dma_wait3A_203] : memref<200x8x32x8x128xf32, #tpu.memory_space<hbm>> -> memref<1x8x1x8x128xf32, #tpu.memory_space<hbm>>
    %dma_wait3A_205 = tpu.memref_squeeze %dma_wait3A_204 : memref<1x8x1x8x128xf32, #tpu.memory_space<hbm>> -> memref<8x8x128xf32, #tpu.memory_space<hbm>>
    %dma_wait3A_206 = arith.constant 0 : i32
    %dma_wait3A_207 = arith.constant 0 : i32
    %dma_wait3A_208 = arith.constant 0 : i32
    %dma_wait3A_209 = tpu.memref_slice %arg5[%dma_wait3A_191, %dma_wait3A_206, %add3A, %dma_wait3A_207, %dma_wait3A_208] : memref<200x8x32x8x128xf32, #tpu.memory_space<hbm>> -> memref<1x8x1x8x128xf32, #tpu.memory_space<hbm>>
    %dma_wait3A_210 = tpu.memref_squeeze %dma_wait3A_209 : memref<1x8x1x8x128xf32, #tpu.memory_space<hbm>> -> memref<8x8x128xf32, #tpu.memory_space<hbm>>
    %dma_wait3A_211 = arith.constant 0 : i32
    %dma_wait3A_212 = arith.constant 0 : i32
    %dma_wait3A_213 = arith.constant 0 : i32
    %dma_wait3A_214 = tpu.memref_slice %arg9[%dma_wait3A_190, %dma_wait3A_211, %dma_wait3A_212, %dma_wait3A_213] : memref<4x8x8x129xf32, #tpu.memory_space<vmem>> -> memref<1x8x8x129xf32, #tpu.memory_space<vmem>>
    %dma_wait3A_215 = tpu.memref_squeeze %dma_wait3A_214 : memref<1x8x8x129xf32, #tpu.memory_space<vmem>> -> memref<8x8x129xf32, #tpu.memory_space<vmem>>
    %dma_wait3A_216 = arith.constant 0 : i32
    %dma_wait3A_217 = arith.constant 0 : i32
    %dma_wait3A_218 = arith.constant 0 : i32
    %dma_wait3A_219 = tpu.memref_slice %dma_wait3A_215[%dma_wait3A_216, %dma_wait3A_217, %dma_wait3A_218] : memref<8x8x129xf32, #tpu.memory_space<vmem>> -> memref<8x8x128xf32, #tpu.memory_space<vmem>>
    tpu.wait_dma2 semaphore(%arg17 : memref<!tpu.dma_semaphore, #tpu.memory_space<semaphore_mem>>) src(%dma_wait3A_219 : memref<8x8x128xf32, #tpu.memory_space<vmem>>) dst(%dma_wait3A_210 : memref<8x8x128xf32, #tpu.memory_space<hbm>>)
    return
  }
}

</mosaic_0001>

<sc_bundles>
// kernel: kernel.3.cloned.1.call-start
scs
__scs_entry_jumppad:
0x0: {  	(pc) =	sbr.rel $0x88, $3  }
0x1: {  	(tag) =	ssettag $0x0;
	lr =	simm.s32 $0x1  }
0x2: {  	[smem:$0x3F9E] =	sst lr;
	_ =	strace $0xD0000000  }
0x3: {  	_ = 	snop  }
0x4: {  	_ = 	snop  }
0x5: {  	_ = 	snop  }
0x6: {  	_ = 	snop  }
0x7: {  	_ = 	snop  }
__scs_overlays_trampoline_lowered:
0x8: {  	[smem:$0x3FAD] =	sst s0  }
0x9: {  	[smem:$0x3FAE] =	sst s1  }
0xa: {  	[smem:$0x3FAF] =	sst s2  }
0xb: {  	[smem:$0x3FB0] =	sst s3  }
0xc: {  	[smem:$0x3FB1] =	sst s4  }
0xd: {  	[smem:$0x3FB2] =	sst s5  }
0xe: {  	[smem:$0x3FB3] =	sst s6  }
0xf: {  	[smem:$0x3FB4] =	sst s7  }
0x10: {  	[smem:$0x3FB5] =	sst s8  }
0x11: {  	[smem:$0x3FB6] =	sst s9;
	s0 =	simm.s32 @!p0 $0x0  }
0x12: {  	s1 =	sld [smem:$0x3F9C];
	s0 =	simm.s32 @p0 $0x1  }
0x13: {  	[smem:$0x3FB7] =	sst s0;
	s0 =	simm.s32 @!p1 $0x0  }
0x14: {  	s2 =	sld [smem:$0x3F9B];
	s0 =	simm.s32 @p1 $0x1  }
0x15: {  	[smem:$0x3FB8] =	sst s0;
	s0 =	simm.s32 @!p2 $0x0  }
0x16: {  	s3 =	sld [smem:$0x3FDB];
	s0 =	simm.s32 @p2 $0x1  }
0x17: {  	s4 =	simm.s32 $0x1BF5;
	[smem:$0x3FBA] =	sst s0  }
0x18: {  	s0 =	sld [smem:$0x3F9D];
	_ =	swait.ge [sflag:s4], $0x0  }
0x19: {  	s7 =	sld [smem:$0x3F9E]  }
0x1a: {  	s8 =	sadd.s32 $0xFFFFE003, lr  }
0x1b: {  	s9 =	sadd.s32 $0xFFFFFEF7, lr;
	s5 =	simm.s32 $0xFFFFFFFF;
	p2 =	slt.u32 s8, $0xFFFFF086  }
0x1c: {  	p1 =	slt.u32 s9, $0xF7A;
	s5 =	simm.s32 @!p2 $0x0  }
0x1d: {  	s5 =	simm.s32 @p1 $0x1;
	p0 =	seq.s32 s7, s2  }
0x1e: {  	s7 =	smul.u32 @!p0 $0xF7A, s2;
	p2 =	seq.s32 @!p0 s5, $0x0  }
0x1f: {  	s9 =	smul.u32 $0xF7A, s1;
	s8 =	simm.s32 @!p0 $0x1BF5;
	p2 =	por !p2, p0  }
0x20: {  	[sflag:s8] =	ssyncset.s32 @!p0 $0xFFFFF086;
	s6 =	sadd.s32 @!p0 s3, s7;
	s7 =	simm.s32 @!p0 $0x108  }
0x21: {  	s3 =	sadd.s32 s3, s9;
	s6 =	sadd.s32 @!p0 $0x88, s6;
	s7 =	simm.s32 @p2 $0x1082  }
0x22: {  	[simem:s7], [sflag:s8] =	dma.local @!p0 [hbm:s6], $0xF7A  }
0x23: {  	s9 =	sor.u32 $0xD0000000, s2;
	s6 =	simm.s32 $0x108;
	_ =	swait.ge @!p0 [sflag:s8], $0x0  }
0x24: {  	s3 =	sadd.s32 $0x88, s3;
	s6 =	simm.s32 @!p1 $0x1082;
	[sflag:s4] =	ssyncset.s32 $0xFFFFF086  }
0x25: {  	[simem:s6], [sflag:s4] =	dma.local [hbm:s3], $0xF7A  }
0x26: {  	[smem:$0x3F9E] =	sst s1;
	(tag) =	ssettag s2;
	_ =	strace s9  }
0x27: {  	s1 =	sld [smem:$0x3FAE]  }
0x28: {  	s2 =	sld [smem:$0x3FAF]  }
0x29: {  	s4 =	sld [smem:$0x3FB1]  }
0x2a: {  	p0 =	seq.s32 s5, $0x0;
	s5 =	sld [smem:$0x3FB2]  }
0x2b: {  	s6 =	sld [smem:$0x3FB3]  }
0x2c: {  	s7 =	sld [smem:$0x3FB4]  }
0x2d: {  	s3 =	simm.s32 $0x108;
	s8 =	sld [smem:$0x3FB5]  }
0x2e: {  	s3 =	simm.s32 @!p0 $0x1082;
	s9 =	sld [smem:$0x3FB6]  }
0x2f: {  	lr =	sadd.s32 s0, s3;
	s0 =	sld [smem:$0x3FAD]  }
0x30: {  	s3 =	sld [smem:$0x3FB0]  }
0x31: {  	[smem:$0x3FB9] =	sst s10  }
0x32: {  	s10 =	sld [smem:$0x3FB7];
	_ =	sdelay $0x3  }
0x33: {  	p0 =	seq.s32 s10, $0x1;
	s10 =	sld [smem:$0x3FB9];
	_ =	sdelay $0x3  }
0x34: {  	[smem:$0x3FB9] =	sst s10  }
0x35: {  	s10 =	sld [smem:$0x3FB8];
	_ =	sdelay $0x3  }
0x36: {  	p1 =	seq.s32 s10, $0x1;
	s10 =	sld [smem:$0x3FB9];
	_ =	sdelay $0x3  }
0x37: {  	[smem:$0x3FB9] =	sst s10  }
0x38: {  	s10 =	sld [smem:$0x3FBA]  }
0x39: {  	_ = 	snop;
	(pc) =	sbr.ind lr, $3  }
0x3a: {  	_ = 	snop  }
0x3b: {  	_ = 	snop  }
0x3c: {  	p2 =	seq.s32 s10, $0x1;
	s10 =	sld [smem:$0x3FB9]  }
0x3d: {  	_ =	shalt  }
0x3e: {  	_ =	shalt  }
0x3f: {  	_ =	shalt  }
0x40: {  	_ =	shalt  }
0x41: {  	_ =	shalt  }
0x42: {  	_ =	shalt  }
0x43: {  	_ =	shalt  }
0x44: {  	_ =	shalt  }
0x45: {  	_ =	shalt  }
0x46: {  	_ =	shalt  }
0x47: {  	_ =	shalt  }
0x48: {  	_ =	shalt  }
0x49: {  	_ =	shalt  }
0x4a: {  	_ =	shalt  }
0x4b: {  	_ =	shalt  }
0x4c: {  	_ =	shalt  }
0x4d: {  	_ =	shalt  }
0x4e: {  	_ =	shalt  }
0x4f: {  	_ =	shalt  }
0x50: {  	_ =	shalt  }
0x51: {  	_ =	shalt  }
0x52: {  	_ =	shalt  }
0x53: {  	_ =	shalt  }
0x54: {  	_ =	shalt  }
0x55: {  	_ =	shalt  }
0x56: {  	_ =	shalt  }
0x57: {  	_ =	shalt  }
0x58: {  	_ =	shalt  }
0x59: {  	_ =	shalt  }
0x5a: {  	_ =	shalt  }
0x5b: {  	_ =	shalt  }
0x5c: {  	_ =	shalt  }
0x5d: {  	_ =	shalt  }
0x5e: {  	_ =	shalt  }
0x5f: {  	_ =	shalt  }
0x60: {  	_ =	shalt  }
0x61: {  	_ =	shalt  }
0x62: {  	_ =	shalt  }
0x63: {  	_ =	shalt  }
0x64: {  	_ =	shalt  }
0x65: {  	_ =	shalt  }
0x66: {  	_ =	shalt  }
0x67: {  	_ =	shalt  }
0x68: {  	_ =	shalt  }
0x69: {  	_ =	shalt  }
0x6a: {  	_ =	shalt  }
0x6b: {  	_ =	shalt  }
0x6c: {  	_ =	shalt  }
0x6d: {  	_ =	shalt  }
0x6e: {  	_ =	shalt  }
0x6f: {  	_ =	shalt  }
0x70: {  	_ =	shalt  }
0x71: {  	_ =	shalt  }
0x72: {  	_ =	shalt  }
0x73: {  	_ =	shalt  }
0x74: {  	_ =	shalt  }
0x75: {  	_ =	shalt  }
0x76: {  	_ =	shalt  }
0x77: {  	_ =	shalt  }
0x78: {  	_ =	shalt  }
0x79: {  	_ =	shalt  }
0x7a: {  	_ =	shalt  }
0x7b: {  	_ =	shalt  }
0x7c: {  	_ =	shalt  }
0x7d: {  	_ =	shalt  }
0x7e: {  	_ =	shalt  }
0x7f: {  	_ =	shalt  }
0x80: {  	_ =	shalt  }
0x81: {  	_ =	shalt  }
0x82: {  	_ =	shalt  }
0x83: {  	_ =	shalt  }
0x84: {  	_ =	shalt  }
0x85: {  	_ =	shalt  }
0x86: {  	_ =	shalt  }
0x87: {  	_ =	shalt  }
.Lfunc_end0:
.L_simem_size_0:
called_computation_lowered:
.L_overlay_start_0:
0x88: {  	s2 =	sld [smem:$0x3FD9]  }
0x89: {  	s3 =	sld [smem:$0x3FFE];
	_ =	sdelay $0x1  }
0x8a: {  	s1 =	srdreg.scid  }
0x8b: {  	s0 =	sand.u32 $0x1, s1  }
0x8c: {  	s17 =	sshll.u32 s0, $0xA;
	s2 =	sadd.s32 s3, s2  }
0x8d: {  	s2 =	sadd.s32 s2, s17  }
0x8e: {  	[smem:$0x3FC5] =	sst s2  }
0x8f: {  	_ = 	snop  }
0x90: {  	s2 =	sld [smem:$0x3FD0];
	(tm) =	ssettm $0x1  }
0x91: {  	s18 =	sld [smem:$0x3FFB];
	_ =	sdelay $0x3  }
0x92: {  	_ =	strace s18  }
0x93: {  	s3 =	sld [smem:$0x3FFC];
	_ =	sdelay $0x3  }
0x94: {  	_ =	strace s3  }
0x95: {  	s3 =	sld [smem:$0x3FFD];
	_ =	sdelay $0x3  }
0x96: {  	_ =	strace s3  }
0x97: {  	_ =	strace $0x8FFFFFFF  }
0x98: {  	s19 =	sld [smem:$0x3FDB];
	_ =	sdelay $0x1  }
0x99: {  	s4 =	simm.s32 $_scs_section_size  }
0x9a: {  	s5 =	simm.s32 $_size__tile_overlayer_lowered;
	s6 =	simm.s32 $_tile_overlayer_lowered  }
0x9b: {  	s22 =	simm.s32 $0x1BFF;
	s21 =	sshll.u32 s6, $0x1;
	s3 =	sadd.s32 s4, s19  }
0x9c: {  	s7 =	simm.s32 $0x0;
	s20 =	sshll.u32 s5, $0x1;
	s5 =	sadd.s32 s21, s3  }
0x9d: {  	[timem:s7], [sflag:s22] =	dma.local [hbm:s5], s20  }
0x9e: {  	_ =	swait.ge [sflag:s22], s20  }
0x9f: {  	s4 =	ssub.s32 $0x0, s20;
	[sflag:s22] =	ssyncset.done $0x0  }
0xa0: {  	[sflag:s22] =	ssyncadd.s32 s4;
	_ =	sdelay $0x1  }
0xa1: {  	s23 =	simm.s32 $0x1B8B  }
0xa2: {  	_ =	swait.ge [sflag:s23], $0x1  }
0xa3: {  	[sflag:s23] =	ssyncset.done $0x0  }
0xa4: {  	s25 =	simm.s32 $0x1B8E;
	s24 =	sld [smem:$0x3FFE];
	[sflag:s23] =	ssyncadd.s32 $0xFFFFFFFF  }
0xa5: {  	s26 =	simm.s32 $execute0_lowered;
	[smem:$0x3FD2] =	sst s25  }
0xa6: {  	s5 =	sshll.u32 s26, $0x1;
	_ =	strace $0x80000046;
	[dreg:$0x1] =	wrdreg $0xFFFFFFFF  }
0xa7: {  	s28 =	simm.s32 $_size_execute0_lowered;
	s3 =	sadd.s32 s3, s5;
	[dreg:$0x0] =	wrdreg $0x0  }
0xa8: {  	s5 =	sshll.u32 s28, $0x1;
	[dreg:$0x2] =	wrdreg s3  }
0xa9: {  	[dreg:$0x3] =	wrdreg s5  }
0xaa: {  	[dreg:$0x4] =	wrdreg $0xC0  }
0xab: {  	_ =	task [dreg:s7], $0x5FFFF  }
0xac: {  	[dreg:$0x1] =	wrdreg $0xFFFFFFFF  }
0xad: {  	[dreg:$0x0] =	wrdreg $0x60  }
0xae: {  	[dreg:$0x2] =	wrdreg s24  }
0xaf: {  	[dreg:$0x3] =	wrdreg s2  }
0xb0: {  	[dreg:$0x4] =	wrdreg $0x9  }
0xb1: {  	_ =	task.clear_ibuf [dreg:s7], $0x5FFFF;
	_ =	strace $0x90000046  }
0xb2: {  	s29 =	simm.s32 $0x9;
	_ =	strace $0x80000048  }
0xb3: {  	_ =	swait.ge [sflag:s29], $0x1  }
0xb4: {  	[sflag:s29] =	ssyncadd.s32 $0xFFFFFFFF  }
0xb5: {  	_ =	strace $0x90000048  }
0xb6: {  	_ =	sfence  }
0xb7: {  	s30 =	sld [smem:$0x0];
	_ =	sdelay $0x2  }
0xb8: {  	s31 =	sshll.u32 s1, $0xD;
	s1 =	sshrl.u32 s1, $0x2  }
0xb9: {  	s3 =	sand.u32 $0x4000, s31;
	s1 =	sadd.s32 s1, s30  }
0xba: {  	s0 =	sor.u32 s3, s0;
	s1 =	sshll.u32 s1, $0x11  }
0xbb: {  	s0 =	sor.u32 s1, s0  }
0xbc: {  	s0 =	sadd.s32 $0x8F2B, s0  }
0xbd: {  	[sflag:s0] =	ssyncadd.remote.s32 $0x1  }
0xbe: {  	_ =	sfence.sel $0xFFFF  }
0xbf: {  	[dreg:$0x0] =	wrdreg $0xFFFFFFFF;
	(pc) =	sbr.abs _section_cstart, $3  }
0xc0: {  	[dreg:$0x1] =	wrdreg $0xFFFFFFFF  }
0xc1: {  	_ =	task.clear_ibuf [dreg:s7], $0x2FFFF;
	_ =	strace $0x9FFFFFFF  }
0xc2: {  	(tm) =	ssettm $0x7FFFFFFF  }
0xc3: {  	_ =	shalt  }
tec
execute0_lowered:
.L_overlay_start_1:
0x0: {  	(tag) =	ssettag $0x1  }
0x1: {  	s0 =	rddreg [dreg:$0x0];
	s1 =	srdreg.scid  }
0x2: {  	s3 =	stileid.u32;
	s2 =	rddreg [dreg:$0x1];
	s9 =	simm.s32 $0x80  }
0x3: {  	s11 =	simm.s32 $0x9;
	s19 =	simm.s32 $0x1;
	s20 =	simm.s32 $0x11600  }
0x4: {  	s21 =	simm.s32 $0x2;
	s22 =	simm.s32 $0x13800;
	s23 =	simm.s32 $0x3  }
0x5: {  	s24 =	simm.s32 $0x15A00;
	s25 =	simm.s32 $0x4;
	s28 =	simm.s32 $0x5  }
0x6: {  	s29 =	simm.s32 $0x6;
	s30 =	simm.s32 $0x7;
	s31 =	simm.s32 $0x8  }
0x7: {  	s1 =	sand.u32 $0x1, s1;
	s4 =	sshll.u32 s3, $0x1;
	s3 =	simm.s32 $0x0  }
0x8: {  	s5 =	sadd.s32 $0x400, s0;
	s7 =	sor.u32 s1, s4;
	[smem:$0x7FF] =	sst s3  }
0x9: {  	v0 =	vlaneseq.u32;
	s1 =	ssub.s32 $0x2, s1;
	s4 =	sshll.u32 s7, $0x4;
	_ =	strace $0x80000047  }
0xa: {  	v0 =	vmul.u32 $0x88, v0;
	s26 =	sshrl.u32 s1, $0x1;
	s7 =	sshll.u32 s7, $0xA;
	s6 =	sadd.s32 s4, s0  }
0xb: {  	s4 =	sadd.s32 $0x19C00, s0;
	s0 =	ssub.s32 s1, s26;
	s26 =	simm.s32 $0x17C00  }
0xc: {  	v1 =	vadd.s32 $0x880, v0;
	v2 =	vadd.s32 $0x1100, v0;
	v3 =	vadd.s32 $0x1980, v0;
	s1 =	simm.s32 $0x0;
	s6 =	sadd.s32 $0xC00, s6;
	s8 =	smax.u32 s0, $0x1  }
.LBB2_1:
0xd: {  	s0 =	simm.s32 $0x1000  }
0xe: {  	[tilespmem:s3], [sflag:$0x9] =	stream.strided.gather [hbm4b:s6+s9], $0x6400, s0, s9, $0x38;
	[tilespmem:$0x19E00] =	vst v63  }
0xf: {  	_ =	swait.ge [sflag:s11], $0x6400  }
0x10: {  	[sflag:s11] =	ssyncset.done $0x0  }
0x11: {  	s13 =	simm.s32 $0x6400;
	[sflag:s11] =	ssyncadd.s32 $0xFFFF9C00  }
0x12: {  	[tilespmem:s13], [sflag:$0x9] =	stream.linear.gather [hbm4b:s5+s3], $0x3200, $0x38;
	[tilespmem:$0x19E00] =	vst v63  }
0x13: {  	_ =	swait.ge [sflag:s11], $0x3200  }
0x14: {  	[sflag:s11] =	ssyncset.done $0x0  }
0x15: {  	s14 =	simm.s32 $0x9600;
	[sflag:s11] =	ssyncadd.s32 $0xFFFFCE00  }
0x16: {  	[tilespmem:s14], [sflag:$0x1] =	stream.indirect.gather [hbm4b:s4+s9], $0x40, s3, s9, $0xb8;
	[tilespmem:$0x19E00] =	vst v63  }
0x17: {  	s15 =	simm.s32 $0xB600  }
0x18: {  	[tilespmem:s15], [sflag:$0x2] =	stream.indirect.gather [hbm4b:s4+s9], $0x40, s9, s9, $0xb8;
	[tilespmem:$0x19E00] =	vst v63  }
0x19: {  	s16 =	simm.s32 $0x100;
	s10 =	simm.s32 $0xD600  }
0x1a: {  	[tilespmem:s10], [sflag:$0x3] =	stream.indirect.gather [hbm4b:s4+s9], $0x40, s16, s9, $0xb8;
	[tilespmem:$0x19E00] =	vst v63  }
0x1b: {  	s17 =	simm.s32 $0x180;
	s18 =	simm.s32 $0xF600;
	s0 =	simm.s32 $0x0  }
0x1c: {  	[tilespmem:s18], [sflag:$0x4] =	stream.indirect.gather [hbm4b:s4+s9], $0x40, s17, s9, $0xb8;
	[tilespmem:$0x19E00] =	vst v63  }
.LBB2_2:
0x1d: {  	_ =	swait.ge [sflag:s19], $0x2000  }
0x1e: {  	p0 =	seq.s32 s0, $0x0;
	[sflag:s19] =	ssyncset.done $0x0  }
0x1f: {  	s10 =	simm.s32 @!p0 $0x5;
	[sflag:s19] =	ssyncadd.s32 $0xFFFFE000  }
0x20: {  	_ =	swait.ge @!p0 [sflag:s10], $0x2000  }
0x21: {  	s12 =	sshll.u32 s0, $0x8;
	[sflag:s10] =	ssyncset.done @!p0 $0x0  }
0x22: {  	s16 =	sand.u32 $0x3FFFFF00, s12;
	[sflag:s10] =	ssyncadd.s32 @!p0 $0xFFFFE000  }
0x23: {  	s13 =	simm.s32 $0x3;
	s12 =	simm.s32 $0x9680;
	v9 =	vld [tilespmem:s16+$0x6400]  }
0x24: {  	v4 =	vmov s13;
	v7 =	vld [tilespmem:s12+$0x40]  }
0x25: {  	v13 =	vand.u32 $0x7F, v4  }
0x26: {  	s17 =	simm.s32 $0x0;
	v8 =	vadd.s32 v0, v13;
	v6 =	vld [tilespmem:s16+$0x6410]  }
0x27: {  	s18 =	simm.s32 $0x1;
	s14 =	simm.s32 $0x2;
	v4 =	vmov s17;
	v10 =	vld [tilespmem:s12+$0xFFFFFF80]  }
0x28: {  	v14 =	vmov s14;
	v12 =	vand.u32 $0x7C, v4;
	v4 =	vmov s18;
	v11 =	vld [tilespmem:s12+$0xFFFFFFC0]  }
0x29: {  	v15 =	vadd.s32 v0, v12;
	v19 =	vand.u32 $0x7D, v4;
	v16 =	vld [tilespmem:s12+$0x0];
	v7 =	vadd.f32 v7, v9  }
0x2a: {  	v20 =	vand.u32 $0x7E, v14;
	v17 =	vadd.s32 v0, v19;
	v5 =	vld [tilespmem:s16+$0x6420]  }
0x2b: {  	v14 =	vadd.s32 v0, v20;
	v4 =	vld [tilespmem:s16+$0x6430];
	[tilespmem:v8+s20+$0x0] =	vst.idx.msk $0xffff, v7  }
0x2c: {  	v7 =	vadd.f32 v10, v9;
	v8 =	vld [tilespmem:s12+$0x50]  }
0x2d: {  	v10 =	vadd.f32 v11, v9  }
0x2e: {  	v11 =	vadd.s32 v1, v13;
	[tilespmem:v15+s20+$0x0] =	vst.idx.msk $0xffff, v7;
	v7 =	vadd.f32 v16, v9  }
0x2f: {  	[tilespmem:v17+s20+$0x0] =	vst.idx.msk $0xffff, v10;
	v15 =	vld [tilespmem:s12+$0xFFFFFF90]  }
0x30: {  	v10 =	vld [tilespmem:s12+$0xFFFFFFD0];
	[tilespmem:v14+s20+$0x0] =	vst.idx.msk $0xffff, v7  }
0x31: {  	v14 =	vld [tilespmem:s12+$0x10];
	v7 =	vadd.f32 v8, v6  }
0x32: {  	s10 =	simm.s32 $0x9780;
	s16 =	simm.s32 $0x7;
	v16 =	vadd.s32 v1, v19  }
0x33: {  	s15 =	simm.s32 $0x4;
	v26 =	vadd.s32 v2, v13;
	v18 =	vld [tilespmem:s10+$0x40];
	v17 =	vadd.s32 v1, v20;
	[tilespmem:v11+s20+$0x0] =	vst.idx.msk $0xffff, v7;
	v7 =	vmov s16  }
0x34: {  	v21 =	vadd.s32 v1, v12;
	v8 =	vmov s15;
	v7 =	vand.u32 $0x7F, v7;
	v22 =	vld [tilespmem:s12+$0x60]  }
0x35: {  	s17 =	simm.s32 $0x5;
	v23 =	vld [tilespmem:s10+$0xFFFFFF80];
	v8 =	vand.u32 $0x7C, v8;
	v10 =	vadd.f32 v10, v6;
	v24 =	vadd.s32 v0, v7  }
0x36: {  	s18 =	simm.s32 $0x6;
	v25 =	vld [tilespmem:s10+$0xFFFFFFC0];
	v15 =	vadd.f32 v15, v6;
	v11 =	vadd.f32 v14, v6;
	v14 =	vmov s17  }
0x37: {  	v27 =	vadd.s32 v0, v8;
	[tilespmem:v16+s20+$0x0] =	vst.idx.msk $0xffff, v10;
	v16 =	vmov s18;
	v10 =	vand.u32 $0x7D, v14;
	v14 =	vld [tilespmem:s10+$0x0]  }
0x38: {  	[tilespmem:v17+s20+$0x0] =	vst.idx.msk $0xffff, v11;
	v17 =	vadd.s32 v0, v10;
	v11 =	vand.u32 $0x7E, v16;
	v16 =	vadd.f32 v18, v9;
	v18 =	vld [tilespmem:s12+$0xFFFFFFE0]  }
0x39: {  	[tilespmem:v21+s20+$0x0] =	vst.idx.msk $0xffff, v15;
	v15 =	vadd.s32 v0, v11;
	v21 =	vld [tilespmem:s12+$0x20];
	v22 =	vadd.f32 v22, v5  }
0x3a: {  	v23 =	vadd.f32 v23, v9;
	[tilespmem:v24+s20+$0x0] =	vst.idx.msk $0xffff, v16;
	v16 =	vld [tilespmem:s12+$0xFFFFFFA0];
	v24 =	vadd.s32 v2, v19  }
0x3b: {  	v29 =	vadd.s32 v2, v20;
	v25 =	vadd.f32 v25, v9;
	v28 =	vld [tilespmem:s10+$0x50];
	[tilespmem:v26+s20+$0x0] =	vst.idx.msk $0xffff, v22  }
0x3c: {  	[tilespmem:v27+s20+$0x0] =	vst.idx.msk $0xffff, v23;
	v23 =	vadd.s32 v2, v12;
	v14 =	vadd.f32 v14, v9;
	v26 =	vld [tilespmem:s12+$0x70]  }
0x3d: {  	v27 =	vld [tilespmem:s10+$0xFFFFFF90];
	[tilespmem:v17+s20+$0x0] =	vst.idx.msk $0xffff, v25;
	v25 =	vadd.s32 v1, v7;
	v18 =	vadd.f32 v18, v5  }
0x3e: {  	v31 =	vadd.s32 v3, v13;
	v30 =	vld [tilespmem:s10+$0xFFFFFFD0];
	[tilespmem:v15+s20+$0x0] =	vst.idx.msk $0xffff, v14;
	v14 =	vadd.f32 v21, v5  }
0x3f: {  	v22 =	vadd.s32 v1, v8;
	v17 =	vld [tilespmem:s10+$0x10];
	v13 =	vadd.f32 v16, v5;
	[tilespmem:v24+s20+$0x0] =	vst.idx.msk $0xffff, v18  }
0x40: {  	s14 =	simm.s32 $0x8;
	v21 =	vadd.s32 v1, v10;
	[tilespmem:v29+s20+$0x0] =	vst.idx.msk $0xffff, v14;
	v18 =	vadd.f32 v28, v6;
	v16 =	vld [tilespmem:s12+$0xFFFFFFF0]  }
0x41: {  	v24 =	vmov s14;
	v14 =	vadd.s32 v1, v11;
	v15 =	vld [tilespmem:s12+$0x30];
	[tilespmem:v23+s20+$0x0] =	vst.idx.msk $0xffff, v13;
	v63 =	vadd.f32 v26, v4  }
0x42: {  	s13 =	simm.s32 $0x9880;
	s15 =	simm.s32 $0xB;
	v19 =	vadd.s32 v3, v19;
	v13 =	vand.u32 $0x7C, v24;
	v24 =	vadd.f32 v27, v6;
	[tilespmem:v25+s20+$0x0] =	vst.idx.msk $0xffff, v18;
	v18 =	vld [tilespmem:s12+$0xFFFFFFB0]  }
0x43: {  	v20 =	vadd.s32 v3, v20;
	v26 =	vmov s15;
	v23 =	vld [tilespmem:s13+$0x40];
	s15 =	simm.s32 $0xC;
	s12 =	sshll.u32 s0, $0x2;
	v25 =	vadd.f32 v30, v6;
	[tilespmem:v31+s20+$0x0] =	vst.idx.msk $0xffff, v63  }
.LBB2_3:
0x44: {  	p1 =	slt.u32 s15, $0x7C;
	s16 =	sadd.s32 $0x1, s14;
	v26 =	vand.u32 $0x7F, v26;
	[tilespmem:v22+s20+$0x0] =	vst.idx.msk $0xffff, v24;
	v17 =	vadd.f32 v17, v6;
	v22 =	vld [tilespmem:s10+$0x60];
	v24 =	vadd.s32 v3, v12  }
0x45: {  	v30 =	vmovc v11;
	v27 =	vld [tilespmem:s13+$0xFFFFFF80];
	v28 =	vmov s16;
	s16 =	sadd.s32 $0x2, s14;
	v29 =	vadd.s32 v0, v26;
	[tilespmem:v21+s20+$0x0] =	vst.idx.msk $0xffff, v25;
	v16 =	vadd.f32 v16, v4;
	s14 =	smov.u32 s15  }
0x46: {  	v12 =	vmovc v8;
	v21 =	vld [tilespmem:s13+$0xFFFFFFC0];
	v11 =	vmov s16;
	[tilespmem:v14+s20+$0x0] =	vst.idx.msk $0xffff, v17;
	v14 =	vadd.s32 v2, v7;
	v15 =	vadd.f32 v15, v4  }
0x47: {  	v17 =	vadd.s32 v0, v13;
	v28 =	vand.u32 $0x7D, v28;
	v25 =	vld [tilespmem:s13+$0x0];
	v31 =	vadd.f32 v18, v4;
	[tilespmem:v19+s20+$0x0] =	vst.idx.msk $0xffff, v16  }
0x48: {  	v16 =	vadd.s32 v0, v28;
	v11 =	vand.u32 $0x7E, v11;
	v18 =	vadd.f32 v23, v9;
	v19 =	vld [tilespmem:s10+$0xFFFFFFE0];
	[tilespmem:v20+s20+$0x0] =	vst.idx.msk $0xffff, v15  }
0x49: {  	v8 =	vmov v13;
	v15 =	vadd.s32 v0, v11;
	v20 =	vld [tilespmem:s10+$0x20];
	v22 =	vadd.f32 v22, v5;
	[tilespmem:v24+s20+$0x0] =	vst.idx.msk $0xffff, v31  }
0x4a: {  	v23 =	vadd.s32 v2, v10;
	v13 =	vadd.f32 v27, v9;
	[tilespmem:v29+s20+$0x0] =	vst.idx.msk $0xffff, v18;
	v18 =	vld [tilespmem:s10+$0xFFFFFFA0]  }
0x4b: {  	v27 =	vadd.s32 v2, v30;
	v21 =	vadd.f32 v21, v9;
	v24 =	vld [tilespmem:s13+$0x50];
	[tilespmem:v14+s20+$0x0] =	vst.idx.msk $0xffff, v22  }
0x4c: {  	[tilespmem:v17+s20+$0x0] =	vst.idx.msk $0xffff, v13;
	v13 =	vadd.f32 v25, v9;
	v25 =	vadd.s32 v2, v12;
	v29 =	vld [tilespmem:s10+$0x70]  }
0x4d: {  	v32 =	vadd.s32 v1, v26;
	v31 =	vld [tilespmem:s13+$0xFFFFFF90];
	[tilespmem:v16+s20+$0x0] =	vst.idx.msk $0xffff, v21;
	v14 =	vadd.f32 v19, v5  }
0x4e: {  	v34 =	vadd.s32 v3, v7;
	v7 =	vmov v26;
	v33 =	vld [tilespmem:s13+$0xFFFFFFD0];
	[tilespmem:v15+s20+$0x0] =	vst.idx.msk $0xffff, v13;
	v13 =	vadd.f32 v20, v5  }
.Ltmp0:
0x4f: {  	v22 =	vadd.s32 v1, v8;
	v17 =	vld [tilespmem:s13+$0x10];
	v15 =	vadd.f32 v18, v5;
	[tilespmem:v23+s20+$0x0] =	vst.idx.msk $0xffff, v14;
	(pc) =	sbr.rel @p1 .LBB2_3-.Ltmp0, $4  }
0x50: {  	v21 =	vadd.s32 v1, v28;
	v18 =	vadd.f32 v24, v6;
	v16 =	vld [tilespmem:s10+$0xFFFFFFF0];
	[tilespmem:v27+s20+$0x0] =	vst.idx.msk $0xffff, v13  }
0x51: {  	v14 =	vadd.s32 v1, v11;
	v13 =	vmov s15;
	[tilespmem:v25+s20+$0x0] =	vst.idx.msk $0xffff, v15;
	v15 =	vld [tilespmem:s10+$0x30];
	v27 =	vadd.f32 v29, v4  }
0x52: {  	s16 =	sadd.s32 $0x3, s15;
	v19 =	vadd.s32 v3, v10;
	v13 =	vand.u32 $0x7C, v13;
	v24 =	vadd.f32 v31, v6;
	[tilespmem:v32+s20+$0x0] =	vst.idx.msk $0xffff, v18;
	v18 =	vld [tilespmem:s10+$0xFFFFFFB0];
	s10 =	smov.u32 s13;
	s13 =	sadd.s32 $0x100, s13  }
0x53: {  	v26 =	vmov s16;
	v10 =	vmovc v28;
	v20 =	vadd.s32 v3, v30;
	s15 =	sadd.s32 $0x4, s15;
	v23 =	vld [tilespmem:s13+$0x40];
	v25 =	vadd.f32 v33, v6;
	[tilespmem:v34+s20+$0x0] =	vst.idx.msk $0xffff, v27  }
0x54: {  	s15 =	sadd.s32 $0x1, s14  }
0x55: {  	v26 =	vand.u32 $0x7F, v26;
	s16 =	sadd.s32 $0x2, s14;
	v28 =	vld [tilespmem:s13+$0xFFFFFFC0];
	v27 =	vmov s15  }
0x56: {  	v31 =	vld [tilespmem:s13+$0x0];
	v29 =	vadd.s32 v0, v26;
	v30 =	vmov s16;
	v27 =	vand.u32 $0x7D, v27  }
0x57: {  	v32 =	vld [tilespmem:s13+$0xFFFFFF80];
	v30 =	vand.u32 $0x7E, v30;
	v33 =	vadd.s32 v0, v27  }
0x58: {  	v34 =	vadd.s32 v0, v30  }
0x59: {  	[tilespmem:v22+s20+$0x0] =	vst.idx.msk $0xffff, v24;
	v44 =	vadd.s32 v0, v13;
	v23 =	vadd.f32 v23, v9  }
0x5a: {  	[tilespmem:v21+s20+$0x0] =	vst.idx.msk $0xffff, v25;
	v45 =	vadd.f32 v28, v9  }
0x5b: {  	v46 =	vadd.f32 v31, v9;
	[tilespmem:v29+s20+$0x0] =	vst.idx.msk $0xffff, v23  }
0x5c: {  	v47 =	vadd.f32 v32, v9;
	v48 =	vld [tilespmem:s13+$0x50];
	[tilespmem:v33+s20+$0x0] =	vst.idx.msk $0xffff, v45  }
0x5d: {  	v17 =	vadd.f32 v17, v6;
	v12 =	vadd.s32 v3, v12;
	[tilespmem:v34+s20+$0x0] =	vst.idx.msk $0xffff, v46;
	v21 =	vld [tilespmem:s13+$0xFFFFFFD0]  }
0x5e: {  	v16 =	vadd.f32 v16, v4;
	v49 =	vadd.s32 v1, v26;
	[tilespmem:v44+s20+$0x0] =	vst.idx.msk $0xffff, v47;
	v50 =	vld [tilespmem:s13+$0x10]  }
0x5f: {  	[tilespmem:v14+s20+$0x0] =	vst.idx.msk $0xffff, v17;
	v51 =	vadd.f32 v15, v4;
	v53 =	vadd.s32 v1, v27;
	v52 =	vld [tilespmem:s13+$0xFFFFFF90]  }
0x60: {  	v54 =	vld [tilespmem:s10+$0x60];
	v18 =	vadd.f32 v18, v4;
	[tilespmem:v19+s20+$0x0] =	vst.idx.msk $0xffff, v16;
	v55 =	vadd.s32 v1, v30  }
0x61: {  	v57 =	vadd.s32 v1, v13;
	v60 =	vld [tilespmem:s10+$0x20];
	[tilespmem:v20+s20+$0x0] =	vst.idx.msk $0xffff, v51;
	v58 =	vadd.f32 v48, v6  }
0x62: {  	v59 =	vadd.s32 v2, v7;
	v56 =	vld [tilespmem:s10+$0xFFFFFFE0];
	[tilespmem:v12+s20+$0x0] =	vst.idx.msk $0xffff, v18;
	v61 =	vadd.f32 v21, v6  }
0x63: {  	v62 =	vld [tilespmem:s10+$0xFFFFFFA0];
	v29 =	vadd.s32 v2, v11;
	[tilespmem:v49+s20+$0x0] =	vst.idx.msk $0xffff, v58;
	v28 =	vadd.f32 v50, v6  }
0x64: {  	v63 =	vadd.s32 v2, v10;
	v31 =	vadd.f32 v52, v6;
	v32 =	vld [tilespmem:s13+$0x60];
	[tilespmem:v53+s20+$0x0] =	vst.idx.msk $0xffff, v61  }
0x65: {  	v33 =	vadd.f32 v54, v5;
	v34 =	vadd.s32 v2, v8;
	[tilespmem:v55+s20+$0x0] =	vst.idx.msk $0xffff, v28;
	v35 =	vld [tilespmem:s13+$0xFFFFFFE0]  }
0x66: {  	v37 =	vadd.s32 v2, v26;
	v39 =	vadd.f32 v60, v5;
	[tilespmem:v57+s20+$0x0] =	vst.idx.msk $0xffff, v31;
	v38 =	vld [tilespmem:s13+$0x20]  }
0x67: {  	v41 =	vadd.s32 v2, v27;
	v36 =	vadd.f32 v56, v5;
	[tilespmem:v59+s20+$0x0] =	vst.idx.msk $0xffff, v33;
	v40 =	vld [tilespmem:s13+$0xFFFFFFA0]  }
0x68: {  	v43 =	vadd.s32 v2, v30;
	v18 =	vadd.f32 v62, v5;
	v42 =	vld [tilespmem:s10+$0x70];
	[tilespmem:v29+s20+$0x0] =	vst.idx.msk $0xffff, v39  }
0x69: {  	v45 =	vadd.s32 v2, v13;
	[tilespmem:v63+s20+$0x0] =	vst.idx.msk $0xffff, v36;
	v47 =	vld [tilespmem:s10+$0x30];
	v44 =	vadd.f32 v32, v5  }
0x6a: {  	v46 =	vadd.s32 v3, v7;
	[tilespmem:v34+s20+$0x0] =	vst.idx.msk $0xffff, v18;
	v21 =	vld [tilespmem:s10+$0xFFFFFFF0];
	v9 =	vadd.f32 v35, v5  }
0x6b: {  	v18 =	vld [tilespmem:s10+$0xFFFFFFB0];
	v50 =	vadd.s32 v3, v11;
	[tilespmem:v37+s20+$0x0] =	vst.idx.msk $0xffff, v44;
	v49 =	vadd.f32 v38, v5  }
0x6c: {  	v48 =	vadd.s32 v3, v10;
	v5 =	vadd.f32 v40, v5;
	v12 =	vld [tilespmem:s13+$0x70];
	[tilespmem:v41+s20+$0x0] =	vst.idx.msk $0xffff, v9  }
0x6d: {  	v52 =	vadd.s32 v3, v8;
	v51 =	vadd.f32 v42, v4;
	[tilespmem:v43+s20+$0x0] =	vst.idx.msk $0xffff, v49;
	v53 =	vld [tilespmem:s13+$0xFFFFFFF0]  }
0x6e: {  	v55 =	vadd.s32 v3, v26;
	v56 =	vadd.f32 v47, v4;
	[tilespmem:v45+s20+$0x0] =	vst.idx.msk $0xffff, v5;
	v5 =	vld [tilespmem:s13+$0x30]  }
0x6f: {  	v58 =	vadd.s32 v3, v27;
	[tilespmem:v46+s20+$0x0] =	vst.idx.msk $0xffff, v51;
	v54 =	vadd.f32 v21, v4;
	v57 =	vld [tilespmem:s13+$0xFFFFFFB0]  }
0x70: {  	v60 =	vadd.s32 v3, v30;
	v59 =	vadd.f32 v18, v4;
	[tilespmem:v50+s20+$0x0] =	vst.idx.msk $0xffff, v56  }
0x71: {  	v62 =	vadd.s32 v3, v13;
	[tilespmem:v48+s20+$0x0] =	vst.idx.msk $0xffff, v54;
	v61 =	vadd.f32 v12, v4  }
0x72: {  	[tilespmem:v52+s20+$0x0] =	vst.idx.msk $0xffff, v59;
	v63 =	vadd.f32 v53, v4  }
0x73: {  	p1 =	seq.s32 s0, $0x31;
	[tilespmem:v55+s20+$0x0] =	vst.idx.msk $0xffff, v61;
	v5 =	vadd.f32 v5, v4  }
0x74: {  	s10 =	sshll.u32 @!p1 s0, $0x9;
	v4 =	vadd.f32 v57, v4;
	[tilespmem:v58+s20+$0x0] =	vst.idx.msk $0xffff, v63  }
0x75: {  	s17 =	sshll.u32 s0, $0x14;
	s10 =	sand.u32 @!p1 $0x3FFFFE00, s10;
	[tilespmem:v60+s20+$0x0] =	vst.idx.msk $0xffff, v5  }
0x76: {  	s14 =	simm.s32 @!p1 $0x80;
	s15 =	simm.s32 @!p1 $0x9600;
	s13 =	sadd.s32 @!p1 $0x200, s10;
	[tilespmem:v62+s20+$0x0] =	vst.idx.msk $0xffff, v4  }
0x77: {  	[tilespmem:s15], [sflag:$0x1] =	stream.indirect.gather @!p1 [hbm4b:s4+s14], $0x40, s13, s14, $0xb8;
	[tilespmem:$0x19E00] =	vst v63  }
0x78: {  	s13 =	sor.u32 s7, s17  }
0x79: {  	s13 =	sshrl.u32 s13, $0x3  }
0x7a: {  	s18 =	simm.s32 $0x11600;
	s14 =	sadd.s32 s2, s13  }
0x7b: {  	[hbm4b:s14+s3] =	stream.linear.scatter [tilespmem:s18], [sflag:$0x5], $0x80, $0x38;
	[tilespmem:$0x19E00] =	vst v63  }
0x7c: {  	s15 =	simm.s32 $0x11688;
	s16 =	sadd.s32 $0x10, s14  }
0x7d: {  	[hbm4b:s16+s3] =	stream.linear.scatter [tilespmem:s15], [sflag:$0x5], $0x80, $0x38;
	[tilespmem:$0x19E00] =	vst v63  }
0x7e: {  	s17 =	simm.s32 $0x11710;
	s18 =	sadd.s32 $0x20, s14  }
0x7f: {  	[hbm4b:s18+s3] =	stream.linear.scatter [tilespmem:s17], [sflag:$0x5], $0x80, $0x38;
	[tilespmem:$0x19E00] =	vst v63  }
0x80: {  	s15 =	simm.s32 $0x11798;
	s16 =	sadd.s32 $0x30, s14  }
0x81: {  	[hbm4b:s16+s3] =	stream.linear.scatter [tilespmem:s15], [sflag:$0x5], $0x80, $0x38;
	[tilespmem:$0x19E00] =	vst v63  }
0x82: {  	s17 =	simm.s32 $0x11820;
	s18 =	sadd.s32 $0x40, s14  }
0x83: {  	[hbm4b:s18+s3] =	stream.linear.scatter [tilespmem:s17], [sflag:$0x5], $0x80, $0x38;
	[tilespmem:$0x19E00] =	vst v63  }
0x84: {  	s13 =	simm.s32 $0x440;
	s15 =	simm.s32 $0x118A8;
	s16 =	sadd.s32 $0x50, s14  }
0x85: {  	[hbm4b:s16+s3] =	stream.linear.scatter [tilespmem:s15], [sflag:$0x5], $0x80, $0x38;
	[tilespmem:$0x19E00] =	vst v63  }
0x86: {  	s17 =	simm.s32 $0x11930;
	s18 =	sadd.s32 $0x60, s14;
	s15 =	simm.s32 $0x2200  }
0x87: {  	[hbm4b:s18+s3] =	stream.linear.scatter [tilespmem:s17], [sflag:$0x5], $0x80, $0x38;
	[tilespmem:$0x19E00] =	vst v63  }
0x88: {  	s16 =	simm.s32 $0x119B8;
	s17 =	sadd.s32 $0x70, s14;
	s14 =	sadd.s32 $0x1000, s14  }
.LBB2_5:
0x89: {  	[hbm4b:s17+s3] =	stream.linear.scatter [tilespmem:s16], [sflag:$0x5], $0x80, $0x38;
	[tilespmem:$0x19E00] =	vst v63  }
0x8a: {  	s16 =	smov.u32 s13;
	s13 =	smov.u32 s15  }
0x8b: {  	s18 =	sadd.s32 $0x1100, s15;
	s13 =	sshra.s32 s13, $0x2;
	s17 =	sadd.s32 $0x11600, s16  }
0x8c: {  	[hbm4b:s14+s3] =	stream.linear.scatter [tilespmem:s17], [sflag:$0x5], $0x80, $0x38;
	[tilespmem:$0x19E00] =	vst v63  }
0x8d: {  	p2 =	sne.s32 s15, $0x7700;
	s15 =	sadd.s32 $0x11688, s16;
	s17 =	sadd.s32 $0x10, s14  }
0x8e: {  	[hbm4b:s17+s3] =	stream.linear.scatter [tilespmem:s15], [sflag:$0x5], $0x80, $0x38;
	[tilespmem:$0x19E00] =	vst v63  }
0x8f: {  	s15 =	sadd.s32 $0x11710, s16;
	s17 =	sadd.s32 $0x20, s14  }
0x90: {  	[hbm4b:s17+s3] =	stream.linear.scatter [tilespmem:s15], [sflag:$0x5], $0x80, $0x38;
	[tilespmem:$0x19E00] =	vst v63  }
0x91: {  	s15 =	sadd.s32 $0x11798, s16;
	s17 =	sadd.s32 $0x30, s14  }
0x92: {  	[hbm4b:s17+s3] =	stream.linear.scatter [tilespmem:s15], [sflag:$0x5], $0x80, $0x38;
	[tilespmem:$0x19E00] =	vst v63  }
0x93: {  	s15 =	sadd.s32 $0x11820, s16;
	s17 =	sadd.s32 $0x40, s14  }
0x94: {  	[hbm4b:s17+s3] =	stream.linear.scatter [tilespmem:s15], [sflag:$0x5], $0x80, $0x38;
	[tilespmem:$0x19E00] =	vst v63  }
.Ltmp1:
0x95: {  	s15 =	sadd.s32 $0x118A8, s16;
	s17 =	sadd.s32 $0x50, s14;
	(pc) =	sbr.rel @p2 .LBB2_5-.Ltmp1, $4  }
0x96: {  	[hbm4b:s17+s3] =	stream.linear.scatter [tilespmem:s15], [sflag:$0x5], $0x80, $0x38;
	[tilespmem:$0x19E00] =	vst v63  }
0x97: {  	s15 =	sadd.s32 $0x11930, s16;
	s17 =	sadd.s32 $0x60, s14;
	s16 =	sadd.s32 $0x119B8, s16  }
0x98: {  	[hbm4b:s17+s3] =	stream.linear.scatter [tilespmem:s15], [sflag:$0x5], $0x80, $0x38;
	[tilespmem:$0x19E00] =	vst v63  }
0x99: {  	s17 =	sadd.s32 $0x70, s14;
	s14 =	sadd.s32 $0x1000, s14;
	s15 =	smov.u32 s18  }
0x9a: {  	[hbm4b:s17+s3] =	stream.linear.scatter [tilespmem:s16], [sflag:$0x5], $0x80, $0x38;
	[tilespmem:$0x19E00] =	vst v63  }
0x9b: {  	s15 =	sadd.s32 $0x11600, s13  }
0x9c: {  	[hbm4b:s14+s3] =	stream.linear.scatter [tilespmem:s15], [sflag:$0x5], $0x80, $0x38;
	[tilespmem:$0x19E00] =	vst v63  }
0x9d: {  	s17 =	sadd.s32 $0x11688, s13;
	s18 =	sadd.s32 $0x10, s14  }
0x9e: {  	[hbm4b:s18+s3] =	stream.linear.scatter [tilespmem:s17], [sflag:$0x5], $0x80, $0x38;
	[tilespmem:$0x19E00] =	vst v63  }
0x9f: {  	s17 =	sadd.s32 $0x11710, s13;
	s18 =	sadd.s32 $0x20, s14  }
0xa0: {  	[hbm4b:s18+s3] =	stream.linear.scatter [tilespmem:s17], [sflag:$0x5], $0x80, $0x38;
	[tilespmem:$0x19E00] =	vst v63  }
0xa1: {  	s17 =	sadd.s32 $0x11798, s13;
	s18 =	sadd.s32 $0x30, s14  }
0xa2: {  	[hbm4b:s18+s3] =	stream.linear.scatter [tilespmem:s17], [sflag:$0x5], $0x80, $0x38;
	[tilespmem:$0x19E00] =	vst v63  }
0xa3: {  	s17 =	sadd.s32 $0x11820, s13;
	s18 =	sadd.s32 $0x40, s14  }
0xa4: {  	[hbm4b:s18+s3] =	stream.linear.scatter [tilespmem:s17], [sflag:$0x5], $0x80, $0x38;
	[tilespmem:$0x19E00] =	vst v63  }
0xa5: {  	s17 =	sadd.s32 $0x118A8, s13;
	s18 =	sadd.s32 $0x50, s14  }
0xa6: {  	[hbm4b:s18+s3] =	stream.linear.scatter [tilespmem:s17], [sflag:$0x5], $0x80, $0x38;
	[tilespmem:$0x19E00] =	vst v63  }
0xa7: {  	s17 =	sadd.s32 $0x11930, s13;
	s18 =	sadd.s32 $0x60, s14  }
0xa8: {  	[hbm4b:s18+s3] =	stream.linear.scatter [tilespmem:s17], [sflag:$0x5], $0x80, $0x38;
	[tilespmem:$0x19E00] =	vst v63  }
0xa9: {  	s16 =	sadd.s32 $0x119B8, s13;
	s17 =	sadd.s32 $0x70, s14  }
0xaa: {  	[hbm4b:s17+s3] =	stream.linear.scatter [tilespmem:s16], [sflag:$0x5], $0x80, $0x38;
	[tilespmem:$0x19E00] =	vst v63  }
0xab: {  	_ =	swait.ge [sflag:s21], $0x2000  }
0xac: {  	[sflag:s21] =	ssyncset.done $0x0  }
0xad: {  	s14 =	simm.s32 @!p0 $0x6;
	[sflag:s21] =	ssyncadd.s32 $0xFFFFE000  }
0xae: {  	s13 =	sor.u32 $0x1, s12;
	_ =	swait.ge @!p0 [sflag:s14], $0x2000  }
0xaf: {  	s18 =	sshll.u32 s13, $0x6;
	[sflag:s14] =	ssyncset.done @!p0 $0x0  }
0xb0: {  	[sflag:s14] =	ssyncadd.s32 @!p0 $0xFFFFE000;
	s14 =	sand.u32 $0x3FFFFFC0, s18  }
0xb1: {  	s17 =	simm.s32 $0xB6F0;
	s16 =	simm.s32 $0x3;
	v9 =	vld [tilespmem:s14+$0x6400]  }
0xb2: {  	v4 =	vmov s16;
	v7 =	vld [tilespmem:s17+$0xFFFFFFD0]  }
0xb3: {  	v13 =	vand.u32 $0x7F, v4  }
0xb4: {  	v8 =	vadd.s32 v0, v13;
	s18 =	simm.s32 $0x0;
	v6 =	vld [tilespmem:s14+$0x6410]  }
0xb5: {  	s16 =	simm.s32 $0x1;
	v4 =	vmov s18;
	v10 =	vld [tilespmem:s17+$0xFFFFFF10];
	s18 =	simm.s32 $0x2  }
0xb6: {  	v11 =	vld [tilespmem:s17+$0xFFFFFF50];
	v12 =	vand.u32 $0x7C, v4;
	v4 =	vmov s16;
	v14 =	vmov s18  }
0xb7: {  	v16 =	vld [tilespmem:s17+$0xFFFFFF90];
	v15 =	vadd.s32 v0, v12;
	v19 =	vand.u32 $0x7D, v4;
	v7 =	vadd.f32 v7, v9  }
0xb8: {  	v5 =	vld [tilespmem:s14+$0x6420];
	v20 =	vand.u32 $0x7E, v14;
	v17 =	vadd.s32 v0, v19  }
0xb9: {  	v4 =	vld [tilespmem:s14+$0x6430];
	v14 =	vadd.s32 v0, v20;
	[tilespmem:v8+s22+$0x0] =	vst.idx.msk $0xffff, v7  }
0xba: {  	v7 =	vadd.f32 v10, v9;
	v8 =	vld [tilespmem:s17+$0xFFFFFFE0]  }
0xbb: {  	v10 =	vadd.f32 v11, v9  }
0xbc: {  	v11 =	vadd.s32 v1, v13;
	[tilespmem:v15+s22+$0x0] =	vst.idx.msk $0xffff, v7;
	v7 =	vadd.f32 v16, v9  }
0xbd: {  	[tilespmem:v17+s22+$0x0] =	vst.idx.msk $0xffff, v10;
	v15 =	vld [tilespmem:s17+$0xFFFFFF20]  }
0xbe: {  	v10 =	vld [tilespmem:s17+$0xFFFFFF60];
	[tilespmem:v14+s22+$0x0] =	vst.idx.msk $0xffff, v7  }
0xbf: {  	v14 =	vld [tilespmem:s17+$0xFFFFFFA0];
	v7 =	vadd.f32 v8, v6  }
0xc0: {  	s18 =	simm.s32 $0x7;
	s14 =	simm.s32 $0xB7F0;
	v16 =	vadd.s32 v1, v19  }
0xc1: {  	v26 =	vadd.s32 v2, v13;
	s16 =	simm.s32 $0x4;
	v18 =	vld [tilespmem:s14+$0xFFFFFFD0];
	v17 =	vadd.s32 v1, v20;
	[tilespmem:v11+s22+$0x0] =	vst.idx.msk $0xffff, v7;
	v7 =	vmov s18  }
0xc2: {  	v21 =	vadd.s32 v1, v12;
	v8 =	vmov s16;
	v7 =	vand.u32 $0x7F, v7;
	v22 =	vld [tilespmem:s17+$0xFFFFFFF0]  }
0xc3: {  	v23 =	vld [tilespmem:s14+$0xFFFFFF10];
	s16 =	simm.s32 $0x5;
	v8 =	vand.u32 $0x7C, v8;
	v10 =	vadd.f32 v10, v6;
	v24 =	vadd.s32 v0, v7  }
0xc4: {  	v25 =	vld [tilespmem:s14+$0xFFFFFF50];
	v15 =	vadd.f32 v15, v6;
	s18 =	simm.s32 $0x6;
	v11 =	vadd.f32 v14, v6;
	v14 =	vmov s16  }
0xc5: {  	v27 =	vadd.s32 v0, v8;
	[tilespmem:v16+s22+$0x0] =	vst.idx.msk $0xffff, v10;
	v16 =	vmov s18;
	v10 =	vand.u32 $0x7D, v14;
	v14 =	vld [tilespmem:s14+$0xFFFFFF90]  }
0xc6: {  	[tilespmem:v17+s22+$0x0] =	vst.idx.msk $0xffff, v11;
	v17 =	vadd.s32 v0, v10;
	v11 =	vand.u32 $0x7E, v16;
	v16 =	vadd.f32 v18, v9;
	v18 =	vld [tilespmem:s17+$0xFFFFFF70]  }
0xc7: {  	[tilespmem:v21+s22+$0x0] =	vst.idx.msk $0xffff, v15;
	v15 =	vadd.s32 v0, v11;
	v21 =	vld [tilespmem:s17+$0xFFFFFFB0];
	v22 =	vadd.f32 v22, v5  }
0xc8: {  	v23 =	vadd.f32 v23, v9;
	[tilespmem:v24+s22+$0x0] =	vst.idx.msk $0xffff, v16;
	v16 =	vld [tilespmem:s17+$0xFFFFFF30];
	v24 =	vadd.s32 v2, v19  }
0xc9: {  	v29 =	vadd.s32 v2, v20;
	v25 =	vadd.f32 v25, v9;
	v28 =	vld [tilespmem:s14+$0xFFFFFFE0];
	[tilespmem:v26+s22+$0x0] =	vst.idx.msk $0xffff, v22  }
0xca: {  	[tilespmem:v27+s22+$0x0] =	vst.idx.msk $0xffff, v23;
	v23 =	vadd.s32 v2, v12;
	v14 =	vadd.f32 v14, v9;
	v26 =	vld [tilespmem:s17+$0x0]  }
0xcb: {  	v27 =	vld [tilespmem:s14+$0xFFFFFF20];
	[tilespmem:v17+s22+$0x0] =	vst.idx.msk $0xffff, v25;
	v25 =	vadd.s32 v1, v7;
	v18 =	vadd.f32 v18, v5  }
0xcc: {  	v31 =	vadd.s32 v3, v13;
	v30 =	vld [tilespmem:s14+$0xFFFFFF60];
	[tilespmem:v15+s22+$0x0] =	vst.idx.msk $0xffff, v14;
	v14 =	vadd.f32 v21, v5  }
0xcd: {  	v22 =	vadd.s32 v1, v8;
	v17 =	vld [tilespmem:s14+$0xFFFFFFA0];
	v13 =	vadd.f32 v16, v5;
	[tilespmem:v24+s22+$0x0] =	vst.idx.msk $0xffff, v18  }
0xce: {  	s16 =	simm.s32 $0x8;
	v21 =	vadd.s32 v1, v10;
	[tilespmem:v29+s22+$0x0] =	vst.idx.msk $0xffff, v14;
	v18 =	vadd.f32 v28, v6;
	v16 =	vld [tilespmem:s17+$0xFFFFFF80]  }
0xcf: {  	v24 =	vmov s16;
	v14 =	vadd.s32 v1, v11;
	v15 =	vld [tilespmem:s17+$0xFFFFFFC0];
	[tilespmem:v23+s22+$0x0] =	vst.idx.msk $0xffff, v13;
	v63 =	vadd.f32 v26, v4  }
0xd0: {  	s15 =	simm.s32 $0xB8F0;
	s18 =	simm.s32 $0xB;
	v19 =	vadd.s32 v3, v19;
	v13 =	vand.u32 $0x7C, v24;
	v24 =	vadd.f32 v27, v6;
	[tilespmem:v25+s22+$0x0] =	vst.idx.msk $0xffff, v18;
	v18 =	vld [tilespmem:s17+$0xFFFFFF40]  }
0xd1: {  	v20 =	vadd.s32 v3, v20;
	v26 =	vmov s18;
	v23 =	vld [tilespmem:s15+$0xFFFFFFD0];
	s17 =	simm.s32 $0xC;
	v25 =	vadd.f32 v30, v6;
	[tilespmem:v31+s22+$0x0] =	vst.idx.msk $0xffff, v63  }
.LBB2_7:
0xd2: {  	p2 =	slt.u32 s17, $0x7C;
	s18 =	sadd.s32 $0x1, s16;
	v26 =	vand.u32 $0x7F, v26;
	[tilespmem:v22+s22+$0x0] =	vst.idx.msk $0xffff, v24;
	v17 =	vadd.f32 v17, v6;
	v22 =	vld [tilespmem:s14+$0xFFFFFFF0];
	v24 =	vadd.s32 v3, v12  }
0xd3: {  	v30 =	vmovc v11;
	v27 =	vld [tilespmem:s15+$0xFFFFFF10];
	v28 =	vmov s18;
	s18 =	sadd.s32 $0x2, s16;
	v29 =	vadd.s32 v0, v26;
	[tilespmem:v21+s22+$0x0] =	vst.idx.msk $0xffff, v25;
	v16 =	vadd.f32 v16, v4;
	s16 =	smov.u32 s17  }
0xd4: {  	v12 =	vmovc v8;
	v21 =	vld [tilespmem:s15+$0xFFFFFF50];
	v11 =	vmov s18;
	[tilespmem:v14+s22+$0x0] =	vst.idx.msk $0xffff, v17;
	v14 =	vadd.s32 v2, v7;
	v15 =	vadd.f32 v15, v4  }
0xd5: {  	v17 =	vadd.s32 v0, v13;
	v28 =	vand.u32 $0x7D, v28;
	v25 =	vld [tilespmem:s15+$0xFFFFFF90];
	v31 =	vadd.f32 v18, v4;
	[tilespmem:v19+s22+$0x0] =	vst.idx.msk $0xffff, v16  }
0xd6: {  	v16 =	vadd.s32 v0, v28;
	v11 =	vand.u32 $0x7E, v11;
	v18 =	vadd.f32 v23, v9;
	v19 =	vld [tilespmem:s14+$0xFFFFFF70];
	[tilespmem:v20+s22+$0x0] =	vst.idx.msk $0xffff, v15  }
0xd7: {  	v8 =	vmov v13;
	v15 =	vadd.s32 v0, v11;
	v20 =	vld [tilespmem:s14+$0xFFFFFFB0];
	v22 =	vadd.f32 v22, v5;
	[tilespmem:v24+s22+$0x0] =	vst.idx.msk $0xffff, v31  }
0xd8: {  	v23 =	vadd.s32 v2, v10;
	v13 =	vadd.f32 v27, v9;
	[tilespmem:v29+s22+$0x0] =	vst.idx.msk $0xffff, v18;
	v18 =	vld [tilespmem:s14+$0xFFFFFF30]  }
0xd9: {  	v27 =	vadd.s32 v2, v30;
	v21 =	vadd.f32 v21, v9;
	v24 =	vld [tilespmem:s15+$0xFFFFFFE0];
	[tilespmem:v14+s22+$0x0] =	vst.idx.msk $0xffff, v22  }
0xda: {  	[tilespmem:v17+s22+$0x0] =	vst.idx.msk $0xffff, v13;
	v13 =	vadd.f32 v25, v9;
	v25 =	vadd.s32 v2, v12;
	v29 =	vld [tilespmem:s14+$0x0]  }
0xdb: {  	v32 =	vadd.s32 v1, v26;
	v31 =	vld [tilespmem:s15+$0xFFFFFF20];
	[tilespmem:v16+s22+$0x0] =	vst.idx.msk $0xffff, v21;
	v14 =	vadd.f32 v19, v5  }
0xdc: {  	v34 =	vadd.s32 v3, v7;
	v7 =	vmov v26;
	v33 =	vld [tilespmem:s15+$0xFFFFFF60];
	[tilespmem:v15+s22+$0x0] =	vst.idx.msk $0xffff, v13;
	v13 =	vadd.f32 v20, v5  }
.Ltmp2:
0xdd: {  	v22 =	vadd.s32 v1, v8;
	v17 =	vld [tilespmem:s15+$0xFFFFFFA0];
	v15 =	vadd.f32 v18, v5;
	[tilespmem:v23+s22+$0x0] =	vst.idx.msk $0xffff, v14;
	(pc) =	sbr.rel @p2 .LBB2_7-.Ltmp2, $4  }
0xde: {  	v21 =	vadd.s32 v1, v28;
	v18 =	vadd.f32 v24, v6;
	v16 =	vld [tilespmem:s14+$0xFFFFFF80];
	[tilespmem:v27+s22+$0x0] =	vst.idx.msk $0xffff, v13  }
0xdf: {  	v14 =	vadd.s32 v1, v11;
	v13 =	vmov s17;
	[tilespmem:v25+s22+$0x0] =	vst.idx.msk $0xffff, v15;
	v15 =	vld [tilespmem:s14+$0xFFFFFFC0];
	v27 =	vadd.f32 v29, v4  }
0xe0: {  	s18 =	sadd.s32 $0x3, s17;
	v19 =	vadd.s32 v3, v10;
	v13 =	vand.u32 $0x7C, v13;
	v24 =	vadd.f32 v31, v6;
	[tilespmem:v32+s22+$0x0] =	vst.idx.msk $0xffff, v18;
	v18 =	vld [tilespmem:s14+$0xFFFFFF40];
	s14 =	smov.u32 s15;
	s15 =	sadd.s32 $0x100, s15  }
0xe1: {  	v26 =	vmov s18;
	v10 =	vmovc v28;
	v20 =	vadd.s32 v3, v30;
	s17 =	sadd.s32 $0x4, s17;
	v23 =	vld [tilespmem:s15+$0xFFFFFFD0];
	v25 =	vadd.f32 v33, v6;
	[tilespmem:v34+s22+$0x0] =	vst.idx.msk $0xffff, v27  }
0xe2: {  	s17 =	sadd.s32 $0x1, s16  }
0xe3: {  	v26 =	vand.u32 $0x7F, v26;
	v28 =	vld [tilespmem:s15+$0xFFFFFF50];
	v27 =	vmov s17;
	s17 =	sadd.s32 $0x2, s16  }
0xe4: {  	v31 =	vld [tilespmem:s15+$0xFFFFFF90];
	v29 =	vadd.s32 v0, v26;
	v30 =	vmov s17;
	v27 =	vand.u32 $0x7D, v27  }
0xe5: {  	v32 =	vld [tilespmem:s15+$0xFFFFFF10];
	v33 =	vadd.s32 v0, v27;
	v30 =	vand.u32 $0x7E, v30  }
0xe6: {  	v34 =	vadd.s32 v0, v30  }
0xe7: {  	[tilespmem:v22+s22+$0x0] =	vst.idx.msk $0xffff, v24;
	v44 =	vadd.s32 v0, v13;
	v23 =	vadd.f32 v23, v9  }
0xe8: {  	[tilespmem:v21+s22+$0x0] =	vst.idx.msk $0xffff, v25;
	v45 =	vadd.f32 v28, v9  }
0xe9: {  	v46 =	vadd.f32 v31, v9;
	[tilespmem:v29+s22+$0x0] =	vst.idx.msk $0xffff, v23  }
0xea: {  	v47 =	vadd.f32 v32, v9;
	v48 =	vld [tilespmem:s15+$0xFFFFFFE0];
	[tilespmem:v33+s22+$0x0] =	vst.idx.msk $0xffff, v45  }
0xeb: {  	v17 =	vadd.f32 v17, v6;
	v12 =	vadd.s32 v3, v12;
	v21 =	vld [tilespmem:s15+$0xFFFFFF60];
	[tilespmem:v34+s22+$0x0] =	vst.idx.msk $0xffff, v46  }
0xec: {  	v16 =	vadd.f32 v16, v4;
	v49 =	vadd.s32 v1, v26;
	[tilespmem:v44+s22+$0x0] =	vst.idx.msk $0xffff, v47;
	v50 =	vld [tilespmem:s15+$0xFFFFFFA0]  }
0xed: {  	[tilespmem:v14+s22+$0x0] =	vst.idx.msk $0xffff, v17;
	v51 =	vadd.f32 v15, v4;
	v53 =	vadd.s32 v1, v27;
	v52 =	vld [tilespmem:s15+$0xFFFFFF20]  }
0xee: {  	v54 =	vld [tilespmem:s14+$0xFFFFFFF0];
	v18 =	vadd.f32 v18, v4;
	[tilespmem:v19+s22+$0x0] =	vst.idx.msk $0xffff, v16;
	v55 =	vadd.s32 v1, v30  }
0xef: {  	v57 =	vadd.s32 v1, v13;
	v60 =	vld [tilespmem:s14+$0xFFFFFFB0];
	[tilespmem:v20+s22+$0x0] =	vst.idx.msk $0xffff, v51;
	v58 =	vadd.f32 v48, v6  }
0xf0: {  	v59 =	vadd.s32 v2, v7;
	v56 =	vld [tilespmem:s14+$0xFFFFFF70];
	[tilespmem:v12+s22+$0x0] =	vst.idx.msk $0xffff, v18;
	v61 =	vadd.f32 v21, v6  }
0xf1: {  	v62 =	vld [tilespmem:s14+$0xFFFFFF30];
	v29 =	vadd.s32 v2, v11;
	[tilespmem:v49+s22+$0x0] =	vst.idx.msk $0xffff, v58;
	v28 =	vadd.f32 v50, v6  }
0xf2: {  	v63 =	vadd.s32 v2, v10;
	v31 =	vadd.f32 v52, v6;
	v32 =	vld [tilespmem:s15+$0xFFFFFFF0];
	[tilespmem:v53+s22+$0x0] =	vst.idx.msk $0xffff, v61  }
0xf3: {  	v33 =	vadd.f32 v54, v5;
	v34 =	vadd.s32 v2, v8;
	[tilespmem:v55+s22+$0x0] =	vst.idx.msk $0xffff, v28;
	v35 =	vld [tilespmem:s15+$0xFFFFFF70]  }
0xf4: {  	v37 =	vadd.s32 v2, v26;
	v39 =	vadd.f32 v60, v5;
	[tilespmem:v57+s22+$0x0] =	vst.idx.msk $0xffff, v31;
	v38 =	vld [tilespmem:s15+$0xFFFFFFB0]  }
0xf5: {  	v41 =	vadd.s32 v2, v27;
	v36 =	vadd.f32 v56, v5;
	[tilespmem:v59+s22+$0x0] =	vst.idx.msk $0xffff, v33;
	v40 =	vld [tilespmem:s15+$0xFFFFFF30]  }
0xf6: {  	v43 =	vadd.s32 v2, v30;
	v18 =	vadd.f32 v62, v5;
	v42 =	vld [tilespmem:s14+$0x0];
	[tilespmem:v29+s22+$0x0] =	vst.idx.msk $0xffff, v39  }
0xf7: {  	v45 =	vadd.s32 v2, v13;
	[tilespmem:v63+s22+$0x0] =	vst.idx.msk $0xffff, v36;
	v47 =	vld [tilespmem:s14+$0xFFFFFFC0];
	v44 =	vadd.f32 v32, v5  }
0xf8: {  	v46 =	vadd.s32 v3, v7;
	v21 =	vld [tilespmem:s14+$0xFFFFFF80];
	[tilespmem:v34+s22+$0x0] =	vst.idx.msk $0xffff, v18;
	v9 =	vadd.f32 v35, v5  }
0xf9: {  	v18 =	vld [tilespmem:s14+$0xFFFFFF40];
	v50 =	vadd.s32 v3, v11;
	[tilespmem:v37+s22+$0x0] =	vst.idx.msk $0xffff, v44;
	v49 =	vadd.f32 v38, v5  }
0xfa: {  	v48 =	vadd.s32 v3, v10;
	v12 =	vld [tilespmem:s15+$0x0];
	v5 =	vadd.f32 v40, v5;
	[tilespmem:v41+s22+$0x0] =	vst.idx.msk $0xffff, v9  }
0xfb: {  	v52 =	vadd.s32 v3, v8;
	v51 =	vadd.f32 v42, v4;
	v53 =	vld [tilespmem:s15+$0xFFFFFF80];
	[tilespmem:v43+s22+$0x0] =	vst.idx.msk $0xffff, v49  }
0xfc: {  	v55 =	vadd.s32 v3, v26;
	v56 =	vadd.f32 v47, v4;
	[tilespmem:v45+s22+$0x0] =	vst.idx.msk $0xffff, v5;
	v5 =	vld [tilespmem:s15+$0xFFFFFFC0]  }
0xfd: {  	v58 =	vadd.s32 v3, v27;
	[tilespmem:v46+s22+$0x0] =	vst.idx.msk $0xffff, v51;
	v54 =	vadd.f32 v21, v4;
	v57 =	vld [tilespmem:s15+$0xFFFFFF40]  }
0xfe: {  	v60 =	vadd.s32 v3, v30;
	v59 =	vadd.f32 v18, v4;
	[tilespmem:v50+s22+$0x0] =	vst.idx.msk $0xffff, v56  }
0xff: {  	v62 =	vadd.s32 v3, v13;
	[tilespmem:v48+s22+$0x0] =	vst.idx.msk $0xffff, v54;
	v61 =	vadd.f32 v12, v4  }
0x100: {  	[tilespmem:v52+s22+$0x0] =	vst.idx.msk $0xffff, v59;
	v63 =	vadd.f32 v53, v4  }
0x101: {  	[tilespmem:v55+s22+$0x0] =	vst.idx.msk $0xffff, v61;
	v5 =	vadd.f32 v5, v4  }
0x102: {  	s13 =	sshll.u32 s13, $0x12;
	v4 =	vadd.f32 v57, v4;
	[tilespmem:v58+s22+$0x0] =	vst.idx.msk $0xffff, v63  }
0x103: {  	s16 =	simm.s32 @!p1 $0xB600;
	s13 =	sor.u32 s7, s13;
	[tilespmem:v60+s22+$0x0] =	vst.idx.msk $0xffff, v5  }
0x104: {  	s13 =	sshrl.u32 s13, $0x3;
	s14 =	sadd.s32 @!p1 $0x280, s10;
	s15 =	simm.s32 @!p1 $0x80;
	[tilespmem:v62+s22+$0x0] =	vst.idx.msk $0xffff, v4  }
0x105: {  	[tilespmem:s16], [sflag:$0x2] =	stream.indirect.gather @!p1 [hbm4b:s4+s15], $0x40, s14, s15, $0xb8;
	[tilespmem:$0x19E00] =	vst v63  }
0x106: {  	s18 =	simm.s32 $0x13800;
	s14 =	sadd.s32 s2, s13  }
0x107: {  	[hbm4b:s14+s3] =	stream.linear.scatter [tilespmem:s18], [sflag:$0x6], $0x80, $0x38;
	[tilespmem:$0x19E00] =	vst v63  }
0x108: {  	s15 =	simm.s32 $0x13888;
	s16 =	sadd.s32 $0x10, s14  }
0x109: {  	[hbm4b:s16+s3] =	stream.linear.scatter [tilespmem:s15], [sflag:$0x6], $0x80, $0x38;
	[tilespmem:$0x19E00] =	vst v63  }
0x10a: {  	s17 =	simm.s32 $0x13910;
	s18 =	sadd.s32 $0x20, s14  }
0x10b: {  	[hbm4b:s18+s3] =	stream.linear.scatter [tilespmem:s17], [sflag:$0x6], $0x80, $0x38;
	[tilespmem:$0x19E00] =	vst v63  }
0x10c: {  	s15 =	simm.s32 $0x13998;
	s16 =	sadd.s32 $0x30, s14  }
0x10d: {  	[hbm4b:s16+s3] =	stream.linear.scatter [tilespmem:s15], [sflag:$0x6], $0x80, $0x38;
	[tilespmem:$0x19E00] =	vst v63  }
0x10e: {  	s17 =	simm.s32 $0x13A20;
	s18 =	sadd.s32 $0x40, s14  }
0x10f: {  	[hbm4b:s18+s3] =	stream.linear.scatter [tilespmem:s17], [sflag:$0x6], $0x80, $0x38;
	[tilespmem:$0x19E00] =	vst v63  }
0x110: {  	s13 =	simm.s32 $0x440;
	s15 =	simm.s32 $0x13AA8;
	s16 =	sadd.s32 $0x50, s14  }
0x111: {  	[hbm4b:s16+s3] =	stream.linear.scatter [tilespmem:s15], [sflag:$0x6], $0x80, $0x38;
	[tilespmem:$0x19E00] =	vst v63  }
0x112: {  	s17 =	simm.s32 $0x13B30;
	s18 =	sadd.s32 $0x60, s14;
	s15 =	simm.s32 $0x2200  }
0x113: {  	[hbm4b:s18+s3] =	stream.linear.scatter [tilespmem:s17], [sflag:$0x6], $0x80, $0x38;
	[tilespmem:$0x19E00] =	vst v63  }
0x114: {  	s16 =	simm.s32 $0x13BB8;
	s17 =	sadd.s32 $0x70, s14;
	s14 =	sadd.s32 $0x1000, s14  }
.LBB2_9:
0x115: {  	[hbm4b:s17+s3] =	stream.linear.scatter [tilespmem:s16], [sflag:$0x6], $0x80, $0x38;
	[tilespmem:$0x19E00] =	vst v63  }
0x116: {  	s16 =	smov.u32 s13;
	s13 =	smov.u32 s15  }
0x117: {  	s18 =	sadd.s32 $0x1100, s15;
	s13 =	sshra.s32 s13, $0x2;
	s17 =	sadd.s32 $0x13800, s16  }
0x118: {  	[hbm4b:s14+s3] =	stream.linear.scatter [tilespmem:s17], [sflag:$0x6], $0x80, $0x38;
	[tilespmem:$0x19E00] =	vst v63  }
0x119: {  	p2 =	sne.s32 s15, $0x7700;
	s15 =	sadd.s32 $0x13888, s16;
	s17 =	sadd.s32 $0x10, s14  }
0x11a: {  	[hbm4b:s17+s3] =	stream.linear.scatter [tilespmem:s15], [sflag:$0x6], $0x80, $0x38;
	[tilespmem:$0x19E00] =	vst v63  }
0x11b: {  	s15 =	sadd.s32 $0x13910, s16;
	s17 =	sadd.s32 $0x20, s14  }
0x11c: {  	[hbm4b:s17+s3] =	stream.linear.scatter [tilespmem:s15], [sflag:$0x6], $0x80, $0x38;
	[tilespmem:$0x19E00] =	vst v63  }
0x11d: {  	s15 =	sadd.s32 $0x13998, s16;
	s17 =	sadd.s32 $0x30, s14  }
0x11e: {  	[hbm4b:s17+s3] =	stream.linear.scatter [tilespmem:s15], [sflag:$0x6], $0x80, $0x38;
	[tilespmem:$0x19E00] =	vst v63  }
0x11f: {  	s15 =	sadd.s32 $0x13A20, s16;
	s17 =	sadd.s32 $0x40, s14  }
0x120: {  	[hbm4b:s17+s3] =	stream.linear.scatter [tilespmem:s15], [sflag:$0x6], $0x80, $0x38;
	[tilespmem:$0x19E00] =	vst v63  }
.Ltmp3:
0x121: {  	s15 =	sadd.s32 $0x13AA8, s16;
	s17 =	sadd.s32 $0x50, s14;
	(pc) =	sbr.rel @p2 .LBB2_9-.Ltmp3, $4  }
0x122: {  	[hbm4b:s17+s3] =	stream.linear.scatter [tilespmem:s15], [sflag:$0x6], $0x80, $0x38;
	[tilespmem:$0x19E00] =	vst v63  }
0x123: {  	s15 =	sadd.s32 $0x13B30, s16;
	s17 =	sadd.s32 $0x60, s14;
	s16 =	sadd.s32 $0x13BB8, s16  }
0x124: {  	[hbm4b:s17+s3] =	stream.linear.scatter [tilespmem:s15], [sflag:$0x6], $0x80, $0x38;
	[tilespmem:$0x19E00] =	vst v63  }
0x125: {  	s17 =	sadd.s32 $0x70, s14;
	s14 =	sadd.s32 $0x1000, s14;
	s15 =	smov.u32 s18  }
0x126: {  	[hbm4b:s17+s3] =	stream.linear.scatter [tilespmem:s16], [sflag:$0x6], $0x80, $0x38;
	[tilespmem:$0x19E00] =	vst v63  }
0x127: {  	s15 =	sadd.s32 $0x13800, s13  }
0x128: {  	[hbm4b:s14+s3] =	stream.linear.scatter [tilespmem:s15], [sflag:$0x6], $0x80, $0x38;
	[tilespmem:$0x19E00] =	vst v63  }
0x129: {  	s17 =	sadd.s32 $0x13888, s13;
	s18 =	sadd.s32 $0x10, s14  }
0x12a: {  	[hbm4b:s18+s3] =	stream.linear.scatter [tilespmem:s17], [sflag:$0x6], $0x80, $0x38;
	[tilespmem:$0x19E00] =	vst v63  }
0x12b: {  	s17 =	sadd.s32 $0x13910, s13;
	s18 =	sadd.s32 $0x20, s14  }
0x12c: {  	[hbm4b:s18+s3] =	stream.linear.scatter [tilespmem:s17], [sflag:$0x6], $0x80, $0x38;
	[tilespmem:$0x19E00] =	vst v63  }
0x12d: {  	s17 =	sadd.s32 $0x13998, s13;
	s18 =	sadd.s32 $0x30, s14  }
0x12e: {  	[hbm4b:s18+s3] =	stream.linear.scatter [tilespmem:s17], [sflag:$0x6], $0x80, $0x38;
	[tilespmem:$0x19E00] =	vst v63  }
0x12f: {  	s17 =	sadd.s32 $0x13A20, s13;
	s18 =	sadd.s32 $0x40, s14  }
0x130: {  	[hbm4b:s18+s3] =	stream.linear.scatter [tilespmem:s17], [sflag:$0x6], $0x80, $0x38;
	[tilespmem:$0x19E00] =	vst v63  }
0x131: {  	s17 =	sadd.s32 $0x13AA8, s13;
	s18 =	sadd.s32 $0x50, s14  }
0x132: {  	[hbm4b:s18+s3] =	stream.linear.scatter [tilespmem:s17], [sflag:$0x6], $0x80, $0x38;
	[tilespmem:$0x19E00] =	vst v63  }
0x133: {  	s17 =	sadd.s32 $0x13B30, s13;
	s18 =	sadd.s32 $0x60, s14  }
0x134: {  	[hbm4b:s18+s3] =	stream.linear.scatter [tilespmem:s17], [sflag:$0x6], $0x80, $0x38;
	[tilespmem:$0x19E00] =	vst v63  }
0x135: {  	s16 =	sadd.s32 $0x13BB8, s13;
	s17 =	sadd.s32 $0x70, s14  }
0x136: {  	[hbm4b:s17+s3] =	stream.linear.scatter [tilespmem:s16], [sflag:$0x6], $0x80, $0x38;
	[tilespmem:$0x19E00] =	vst v63  }
0x137: {  	_ =	swait.ge [sflag:s23], $0x2000  }
0x138: {  	[sflag:s23] =	ssyncset.done $0x0  }
0x139: {  	s14 =	simm.s32 @!p0 $0x7;
	[sflag:s23] =	ssyncadd.s32 $0xFFFFE000  }
0x13a: {  	s13 =	sor.u32 $0x2, s12;
	_ =	swait.ge @!p0 [sflag:s14], $0x2000  }
0x13b: {  	s18 =	sshll.u32 s13, $0x6;
	[sflag:s14] =	ssyncset.done @!p0 $0x0  }
0x13c: {  	[sflag:s14] =	ssyncadd.s32 @!p0 $0xFFFFE000;
	s14 =	sand.u32 $0x3FFFFFC0, s18  }
0x13d: {  	s17 =	simm.s32 $0xD6F0;
	s16 =	simm.s32 $0x3;
	v9 =	vld [tilespmem:s14+$0x6400]  }
0x13e: {  	v4 =	vmov s16;
	v7 =	vld [tilespmem:s17+$0xFFFFFFD0]  }
0x13f: {  	v13 =	vand.u32 $0x7F, v4  }
0x140: {  	v8 =	vadd.s32 v0, v13;
	s18 =	simm.s32 $0x0;
	v6 =	vld [tilespmem:s14+$0x6410]  }
0x141: {  	s16 =	simm.s32 $0x1;
	v4 =	vmov s18;
	v10 =	vld [tilespmem:s17+$0xFFFFFF10];
	s18 =	simm.s32 $0x2  }
0x142: {  	v11 =	vld [tilespmem:s17+$0xFFFFFF50];
	v12 =	vand.u32 $0x7C, v4;
	v4 =	vmov s16;
	v14 =	vmov s18  }
0x143: {  	v16 =	vld [tilespmem:s17+$0xFFFFFF90];
	v15 =	vadd.s32 v0, v12;
	v19 =	vand.u32 $0x7D, v4;
	v7 =	vadd.f32 v7, v9  }
0x144: {  	v5 =	vld [tilespmem:s14+$0x6420];
	v20 =	vand.u32 $0x7E, v14;
	v17 =	vadd.s32 v0, v19  }
0x145: {  	v4 =	vld [tilespmem:s14+$0x6430];
	v14 =	vadd.s32 v0, v20;
	[tilespmem:v8+s24+$0x0] =	vst.idx.msk $0xffff, v7  }
0x146: {  	v7 =	vadd.f32 v10, v9;
	v8 =	vld [tilespmem:s17+$0xFFFFFFE0]  }
0x147: {  	v10 =	vadd.f32 v11, v9  }
0x148: {  	v11 =	vadd.s32 v1, v13;
	[tilespmem:v15+s24+$0x0] =	vst.idx.msk $0xffff, v7;
	v7 =	vadd.f32 v16, v9  }
0x149: {  	[tilespmem:v17+s24+$0x0] =	vst.idx.msk $0xffff, v10;
	v15 =	vld [tilespmem:s17+$0xFFFFFF20]  }
0x14a: {  	v10 =	vld [tilespmem:s17+$0xFFFFFF60];
	[tilespmem:v14+s24+$0x0] =	vst.idx.msk $0xffff, v7  }
0x14b: {  	v14 =	vld [tilespmem:s17+$0xFFFFFFA0];
	v7 =	vadd.f32 v8, v6  }
0x14c: {  	s18 =	simm.s32 $0x7;
	s14 =	simm.s32 $0xD7F0;
	v16 =	vadd.s32 v1, v19  }
0x14d: {  	v26 =	vadd.s32 v2, v13;
	s16 =	simm.s32 $0x4;
	v18 =	vld [tilespmem:s14+$0xFFFFFFD0];
	v17 =	vadd.s32 v1, v20;
	[tilespmem:v11+s24+$0x0] =	vst.idx.msk $0xffff, v7;
	v7 =	vmov s18  }
0x14e: {  	v21 =	vadd.s32 v1, v12;
	v8 =	vmov s16;
	v7 =	vand.u32 $0x7F, v7;
	v22 =	vld [tilespmem:s17+$0xFFFFFFF0]  }
0x14f: {  	v23 =	vld [tilespmem:s14+$0xFFFFFF10];
	s16 =	simm.s32 $0x5;
	v8 =	vand.u32 $0x7C, v8;
	v10 =	vadd.f32 v10, v6;
	v24 =	vadd.s32 v0, v7  }
0x150: {  	v25 =	vld [tilespmem:s14+$0xFFFFFF50];
	v15 =	vadd.f32 v15, v6;
	s18 =	simm.s32 $0x6;
	v11 =	vadd.f32 v14, v6;
	v14 =	vmov s16  }
0x151: {  	v27 =	vadd.s32 v0, v8;
	[tilespmem:v16+s24+$0x0] =	vst.idx.msk $0xffff, v10;
	v16 =	vmov s18;
	v10 =	vand.u32 $0x7D, v14;
	v14 =	vld [tilespmem:s14+$0xFFFFFF90]  }
0x152: {  	[tilespmem:v17+s24+$0x0] =	vst.idx.msk $0xffff, v11;
	v17 =	vadd.s32 v0, v10;
	v11 =	vand.u32 $0x7E, v16;
	v16 =	vadd.f32 v18, v9;
	v18 =	vld [tilespmem:s17+$0xFFFFFF70]  }
0x153: {  	[tilespmem:v21+s24+$0x0] =	vst.idx.msk $0xffff, v15;
	v15 =	vadd.s32 v0, v11;
	v21 =	vld [tilespmem:s17+$0xFFFFFFB0];
	v22 =	vadd.f32 v22, v5  }
0x154: {  	v23 =	vadd.f32 v23, v9;
	[tilespmem:v24+s24+$0x0] =	vst.idx.msk $0xffff, v16;
	v16 =	vld [tilespmem:s17+$0xFFFFFF30];
	v24 =	vadd.s32 v2, v19  }
0x155: {  	v29 =	vadd.s32 v2, v20;
	v25 =	vadd.f32 v25, v9;
	v28 =	vld [tilespmem:s14+$0xFFFFFFE0];
	[tilespmem:v26+s24+$0x0] =	vst.idx.msk $0xffff, v22  }
0x156: {  	[tilespmem:v27+s24+$0x0] =	vst.idx.msk $0xffff, v23;
	v23 =	vadd.s32 v2, v12;
	v14 =	vadd.f32 v14, v9;
	v26 =	vld [tilespmem:s17+$0x0]  }
0x157: {  	v27 =	vld [tilespmem:s14+$0xFFFFFF20];
	[tilespmem:v17+s24+$0x0] =	vst.idx.msk $0xffff, v25;
	v25 =	vadd.s32 v1, v7;
	v18 =	vadd.f32 v18, v5  }
0x158: {  	v31 =	vadd.s32 v3, v13;
	v30 =	vld [tilespmem:s14+$0xFFFFFF60];
	[tilespmem:v15+s24+$0x0] =	vst.idx.msk $0xffff, v14;
	v14 =	vadd.f32 v21, v5  }
0x159: {  	v22 =	vadd.s32 v1, v8;
	v17 =	vld [tilespmem:s14+$0xFFFFFFA0];
	v13 =	vadd.f32 v16, v5;
	[tilespmem:v24+s24+$0x0] =	vst.idx.msk $0xffff, v18  }
0x15a: {  	s16 =	simm.s32 $0x8;
	v21 =	vadd.s32 v1, v10;
	[tilespmem:v29+s24+$0x0] =	vst.idx.msk $0xffff, v14;
	v18 =	vadd.f32 v28, v6;
	v16 =	vld [tilespmem:s17+$0xFFFFFF80]  }
0x15b: {  	v24 =	vmov s16;
	v14 =	vadd.s32 v1, v11;
	v15 =	vld [tilespmem:s17+$0xFFFFFFC0];
	[tilespmem:v23+s24+$0x0] =	vst.idx.msk $0xffff, v13;
	v63 =	vadd.f32 v26, v4  }
0x15c: {  	s15 =	simm.s32 $0xD8F0;
	s18 =	simm.s32 $0xB;
	v19 =	vadd.s32 v3, v19;
	v13 =	vand.u32 $0x7C, v24;
	v24 =	vadd.f32 v27, v6;
	[tilespmem:v25+s24+$0x0] =	vst.idx.msk $0xffff, v18;
	v18 =	vld [tilespmem:s17+$0xFFFFFF40]  }
0x15d: {  	v20 =	vadd.s32 v3, v20;
	v26 =	vmov s18;
	v23 =	vld [tilespmem:s15+$0xFFFFFFD0];
	s17 =	simm.s32 $0xC;
	v25 =	vadd.f32 v30, v6;
	[tilespmem:v31+s24+$0x0] =	vst.idx.msk $0xffff, v63  }
.LBB2_11:
0x15e: {  	p2 =	slt.u32 s17, $0x7C;
	s18 =	sadd.s32 $0x1, s16;
	v26 =	vand.u32 $0x7F, v26;
	[tilespmem:v22+s24+$0x0] =	vst.idx.msk $0xffff, v24;
	v17 =	vadd.f32 v17, v6;
	v22 =	vld [tilespmem:s14+$0xFFFFFFF0];
	v24 =	vadd.s32 v3, v12  }
0x15f: {  	v30 =	vmovc v11;
	v27 =	vld [tilespmem:s15+$0xFFFFFF10];
	v28 =	vmov s18;
	s18 =	sadd.s32 $0x2, s16;
	v29 =	vadd.s32 v0, v26;
	[tilespmem:v21+s24+$0x0] =	vst.idx.msk $0xffff, v25;
	v16 =	vadd.f32 v16, v4;
	s16 =	smov.u32 s17  }
0x160: {  	v12 =	vmovc v8;
	v21 =	vld [tilespmem:s15+$0xFFFFFF50];
	v11 =	vmov s18;
	[tilespmem:v14+s24+$0x0] =	vst.idx.msk $0xffff, v17;
	v14 =	vadd.s32 v2, v7;
	v15 =	vadd.f32 v15, v4  }
0x161: {  	v17 =	vadd.s32 v0, v13;
	v28 =	vand.u32 $0x7D, v28;
	v25 =	vld [tilespmem:s15+$0xFFFFFF90];
	v31 =	vadd.f32 v18, v4;
	[tilespmem:v19+s24+$0x0] =	vst.idx.msk $0xffff, v16  }
0x162: {  	v16 =	vadd.s32 v0, v28;
	v11 =	vand.u32 $0x7E, v11;
	v18 =	vadd.f32 v23, v9;
	v19 =	vld [tilespmem:s14+$0xFFFFFF70];
	[tilespmem:v20+s24+$0x0] =	vst.idx.msk $0xffff, v15  }
0x163: {  	v8 =	vmov v13;
	v15 =	vadd.s32 v0, v11;
	v20 =	vld [tilespmem:s14+$0xFFFFFFB0];
	v22 =	vadd.f32 v22, v5;
	[tilespmem:v24+s24+$0x0] =	vst.idx.msk $0xffff, v31  }
0x164: {  	v23 =	vadd.s32 v2, v10;
	v13 =	vadd.f32 v27, v9;
	[tilespmem:v29+s24+$0x0] =	vst.idx.msk $0xffff, v18;
	v18 =	vld [tilespmem:s14+$0xFFFFFF30]  }
0x165: {  	v27 =	vadd.s32 v2, v30;
	v21 =	vadd.f32 v21, v9;
	v24 =	vld [tilespmem:s15+$0xFFFFFFE0];
	[tilespmem:v14+s24+$0x0] =	vst.idx.msk $0xffff, v22  }
0x166: {  	[tilespmem:v17+s24+$0x0] =	vst.idx.msk $0xffff, v13;
	v13 =	vadd.f32 v25, v9;
	v25 =	vadd.s32 v2, v12;
	v29 =	vld [tilespmem:s14+$0x0]  }
0x167: {  	v32 =	vadd.s32 v1, v26;
	v31 =	vld [tilespmem:s15+$0xFFFFFF20];
	[tilespmem:v16+s24+$0x0] =	vst.idx.msk $0xffff, v21;
	v14 =	vadd.f32 v19, v5  }
0x168: {  	v34 =	vadd.s32 v3, v7;
	v7 =	vmov v26;
	v33 =	vld [tilespmem:s15+$0xFFFFFF60];
	[tilespmem:v15+s24+$0x0] =	vst.idx.msk $0xffff, v13;
	v13 =	vadd.f32 v20, v5  }
.Ltmp4:
0x169: {  	v22 =	vadd.s32 v1, v8;
	v17 =	vld [tilespmem:s15+$0xFFFFFFA0];
	v15 =	vadd.f32 v18, v5;
	[tilespmem:v23+s24+$0x0] =	vst.idx.msk $0xffff, v14;
	(pc) =	sbr.rel @p2 .LBB2_11-.Ltmp4, $4  }
0x16a: {  	v21 =	vadd.s32 v1, v28;
	v18 =	vadd.f32 v24, v6;
	v16 =	vld [tilespmem:s14+$0xFFFFFF80];
	[tilespmem:v27+s24+$0x0] =	vst.idx.msk $0xffff, v13  }
0x16b: {  	v14 =	vadd.s32 v1, v11;
	v13 =	vmov s17;
	[tilespmem:v25+s24+$0x0] =	vst.idx.msk $0xffff, v15;
	v15 =	vld [tilespmem:s14+$0xFFFFFFC0];
	v27 =	vadd.f32 v29, v4  }
0x16c: {  	s18 =	sadd.s32 $0x3, s17;
	v19 =	vadd.s32 v3, v10;
	v13 =	vand.u32 $0x7C, v13;
	v24 =	vadd.f32 v31, v6;
	[tilespmem:v32+s24+$0x0] =	vst.idx.msk $0xffff, v18;
	v18 =	vld [tilespmem:s14+$0xFFFFFF40];
	s14 =	smov.u32 s15;
	s15 =	sadd.s32 $0x100, s15  }
0x16d: {  	v26 =	vmov s18;
	v10 =	vmovc v28;
	v20 =	vadd.s32 v3, v30;
	s17 =	sadd.s32 $0x4, s17;
	v23 =	vld [tilespmem:s15+$0xFFFFFFD0];
	v25 =	vadd.f32 v33, v6;
	[tilespmem:v34+s24+$0x0] =	vst.idx.msk $0xffff, v27  }
0x16e: {  	s17 =	sadd.s32 $0x1, s16  }
0x16f: {  	v26 =	vand.u32 $0x7F, v26;
	v28 =	vld [tilespmem:s15+$0xFFFFFF50];
	v27 =	vmov s17;
	s17 =	sadd.s32 $0x2, s16  }
0x170: {  	v31 =	vld [tilespmem:s15+$0xFFFFFF90];
	v29 =	vadd.s32 v0, v26;
	v30 =	vmov s17;
	v27 =	vand.u32 $0x7D, v27  }
0x171: {  	v32 =	vld [tilespmem:s15+$0xFFFFFF10];
	v33 =	vadd.s32 v0, v27;
	v30 =	vand.u32 $0x7E, v30  }
0x172: {  	v34 =	vadd.s32 v0, v30  }
0x173: {  	[tilespmem:v22+s24+$0x0] =	vst.idx.msk $0xffff, v24;
	v44 =	vadd.s32 v0, v13;
	v23 =	vadd.f32 v23, v9  }
0x174: {  	[tilespmem:v21+s24+$0x0] =	vst.idx.msk $0xffff, v25;
	v45 =	vadd.f32 v28, v9  }
0x175: {  	v46 =	vadd.f32 v31, v9;
	[tilespmem:v29+s24+$0x0] =	vst.idx.msk $0xffff, v23  }
0x176: {  	v47 =	vadd.f32 v32, v9;
	v48 =	vld [tilespmem:s15+$0xFFFFFFE0];
	[tilespmem:v33+s24+$0x0] =	vst.idx.msk $0xffff, v45  }
0x177: {  	v17 =	vadd.f32 v17, v6;
	v12 =	vadd.s32 v3, v12;
	v21 =	vld [tilespmem:s15+$0xFFFFFF60];
	[tilespmem:v34+s24+$0x0] =	vst.idx.msk $0xffff, v46  }
0x178: {  	v16 =	vadd.f32 v16, v4;
	v49 =	vadd.s32 v1, v26;
	[tilespmem:v44+s24+$0x0] =	vst.idx.msk $0xffff, v47;
	v50 =	vld [tilespmem:s15+$0xFFFFFFA0]  }
0x179: {  	[tilespmem:v14+s24+$0x0] =	vst.idx.msk $0xffff, v17;
	v51 =	vadd.f32 v15, v4;
	v53 =	vadd.s32 v1, v27;
	v52 =	vld [tilespmem:s15+$0xFFFFFF20]  }
0x17a: {  	v54 =	vld [tilespmem:s14+$0xFFFFFFF0];
	v18 =	vadd.f32 v18, v4;
	[tilespmem:v19+s24+$0x0] =	vst.idx.msk $0xffff, v16;
	v55 =	vadd.s32 v1, v30  }
0x17b: {  	v57 =	vadd.s32 v1, v13;
	v60 =	vld [tilespmem:s14+$0xFFFFFFB0];
	[tilespmem:v20+s24+$0x0] =	vst.idx.msk $0xffff, v51;
	v58 =	vadd.f32 v48, v6  }
0x17c: {  	v59 =	vadd.s32 v2, v7;
	v56 =	vld [tilespmem:s14+$0xFFFFFF70];
	[tilespmem:v12+s24+$0x0] =	vst.idx.msk $0xffff, v18;
	v61 =	vadd.f32 v21, v6  }
0x17d: {  	v62 =	vld [tilespmem:s14+$0xFFFFFF30];
	v29 =	vadd.s32 v2, v11;
	[tilespmem:v49+s24+$0x0] =	vst.idx.msk $0xffff, v58;
	v28 =	vadd.f32 v50, v6  }
0x17e: {  	v63 =	vadd.s32 v2, v10;
	v31 =	vadd.f32 v52, v6;
	v32 =	vld [tilespmem:s15+$0xFFFFFFF0];
	[tilespmem:v53+s24+$0x0] =	vst.idx.msk $0xffff, v61  }
0x17f: {  	v33 =	vadd.f32 v54, v5;
	v34 =	vadd.s32 v2, v8;
	[tilespmem:v55+s24+$0x0] =	vst.idx.msk $0xffff, v28;
	v35 =	vld [tilespmem:s15+$0xFFFFFF70]  }
0x180: {  	v37 =	vadd.s32 v2, v26;
	v39 =	vadd.f32 v60, v5;
	[tilespmem:v57+s24+$0x0] =	vst.idx.msk $0xffff, v31;
	v38 =	vld [tilespmem:s15+$0xFFFFFFB0]  }
0x181: {  	v41 =	vadd.s32 v2, v27;
	v36 =	vadd.f32 v56, v5;
	[tilespmem:v59+s24+$0x0] =	vst.idx.msk $0xffff, v33;
	v40 =	vld [tilespmem:s15+$0xFFFFFF30]  }
0x182: {  	v43 =	vadd.s32 v2, v30;
	v18 =	vadd.f32 v62, v5;
	v42 =	vld [tilespmem:s14+$0x0];
	[tilespmem:v29+s24+$0x0] =	vst.idx.msk $0xffff, v39  }
0x183: {  	v45 =	vadd.s32 v2, v13;
	[tilespmem:v63+s24+$0x0] =	vst.idx.msk $0xffff, v36;
	v47 =	vld [tilespmem:s14+$0xFFFFFFC0];
	v44 =	vadd.f32 v32, v5  }
0x184: {  	v46 =	vadd.s32 v3, v7;
	v21 =	vld [tilespmem:s14+$0xFFFFFF80];
	[tilespmem:v34+s24+$0x0] =	vst.idx.msk $0xffff, v18;
	v9 =	vadd.f32 v35, v5  }
0x185: {  	v18 =	vld [tilespmem:s14+$0xFFFFFF40];
	v50 =	vadd.s32 v3, v11;
	[tilespmem:v37+s24+$0x0] =	vst.idx.msk $0xffff, v44;
	v49 =	vadd.f32 v38, v5  }
0x186: {  	v48 =	vadd.s32 v3, v10;
	v12 =	vld [tilespmem:s15+$0x0];
	v5 =	vadd.f32 v40, v5;
	[tilespmem:v41+s24+$0x0] =	vst.idx.msk $0xffff, v9  }
0x187: {  	v52 =	vadd.s32 v3, v8;
	v51 =	vadd.f32 v42, v4;
	v53 =	vld [tilespmem:s15+$0xFFFFFF80];
	[tilespmem:v43+s24+$0x0] =	vst.idx.msk $0xffff, v49  }
0x188: {  	v55 =	vadd.s32 v3, v26;
	v56 =	vadd.f32 v47, v4;
	[tilespmem:v45+s24+$0x0] =	vst.idx.msk $0xffff, v5;
	v5 =	vld [tilespmem:s15+$0xFFFFFFC0]  }
0x189: {  	v58 =	vadd.s32 v3, v27;
	[tilespmem:v46+s24+$0x0] =	vst.idx.msk $0xffff, v51;
	v54 =	vadd.f32 v21, v4;
	v57 =	vld [tilespmem:s15+$0xFFFFFF40]  }
0x18a: {  	v60 =	vadd.s32 v3, v30;
	v59 =	vadd.f32 v18, v4;
	[tilespmem:v50+s24+$0x0] =	vst.idx.msk $0xffff, v56  }
0x18b: {  	v62 =	vadd.s32 v3, v13;
	[tilespmem:v48+s24+$0x0] =	vst.idx.msk $0xffff, v54;
	v61 =	vadd.f32 v12, v4  }
0x18c: {  	[tilespmem:v52+s24+$0x0] =	vst.idx.msk $0xffff, v59;
	v63 =	vadd.f32 v53, v4  }
0x18d: {  	[tilespmem:v55+s24+$0x0] =	vst.idx.msk $0xffff, v61;
	v5 =	vadd.f32 v5, v4  }
0x18e: {  	s13 =	sshll.u32 s13, $0x12;
	v4 =	vadd.f32 v57, v4;
	[tilespmem:v58+s24+$0x0] =	vst.idx.msk $0xffff, v63  }
0x18f: {  	s16 =	simm.s32 @!p1 $0xD600;
	s13 =	sor.u32 s7, s13;
	[tilespmem:v60+s24+$0x0] =	vst.idx.msk $0xffff, v5  }
0x190: {  	s13 =	sshrl.u32 s13, $0x3;
	s14 =	sadd.s32 @!p1 $0x300, s10;
	s15 =	simm.s32 @!p1 $0x80;
	[tilespmem:v62+s24+$0x0] =	vst.idx.msk $0xffff, v4  }
0x191: {  	[tilespmem:s16], [sflag:$0x3] =	stream.indirect.gather @!p1 [hbm4b:s4+s15], $0x40, s14, s15, $0xb8;
	[tilespmem:$0x19E00] =	vst v63  }
0x192: {  	s18 =	simm.s32 $0x15A00;
	s14 =	sadd.s32 s2, s13  }
0x193: {  	[hbm4b:s14+s3] =	stream.linear.scatter [tilespmem:s18], [sflag:$0x7], $0x80, $0x38;
	[tilespmem:$0x19E00] =	vst v63  }
0x194: {  	s15 =	simm.s32 $0x15A88;
	s16 =	sadd.s32 $0x10, s14  }
0x195: {  	[hbm4b:s16+s3] =	stream.linear.scatter [tilespmem:s15], [sflag:$0x7], $0x80, $0x38;
	[tilespmem:$0x19E00] =	vst v63  }
0x196: {  	s17 =	simm.s32 $0x15B10;
	s18 =	sadd.s32 $0x20, s14  }
0x197: {  	[hbm4b:s18+s3] =	stream.linear.scatter [tilespmem:s17], [sflag:$0x7], $0x80, $0x38;
	[tilespmem:$0x19E00] =	vst v63  }
0x198: {  	s15 =	simm.s32 $0x15B98;
	s16 =	sadd.s32 $0x30, s14  }
0x199: {  	[hbm4b:s16+s3] =	stream.linear.scatter [tilespmem:s15], [sflag:$0x7], $0x80, $0x38;
	[tilespmem:$0x19E00] =	vst v63  }
0x19a: {  	s17 =	simm.s32 $0x15C20;
	s18 =	sadd.s32 $0x40, s14  }
0x19b: {  	[hbm4b:s18+s3] =	stream.linear.scatter [tilespmem:s17], [sflag:$0x7], $0x80, $0x38;
	[tilespmem:$0x19E00] =	vst v63  }
0x19c: {  	s13 =	simm.s32 $0x440;
	s15 =	simm.s32 $0x15CA8;
	s16 =	sadd.s32 $0x50, s14  }
0x19d: {  	[hbm4b:s16+s3] =	stream.linear.scatter [tilespmem:s15], [sflag:$0x7], $0x80, $0x38;
	[tilespmem:$0x19E00] =	vst v63  }
0x19e: {  	s17 =	simm.s32 $0x15D30;
	s18 =	sadd.s32 $0x60, s14;
	s15 =	simm.s32 $0x2200  }
0x19f: {  	[hbm4b:s18+s3] =	stream.linear.scatter [tilespmem:s17], [sflag:$0x7], $0x80, $0x38;
	[tilespmem:$0x19E00] =	vst v63  }
0x1a0: {  	s16 =	simm.s32 $0x15DB8;
	s17 =	sadd.s32 $0x70, s14;
	s14 =	sadd.s32 $0x1000, s14  }
.LBB2_13:
0x1a1: {  	[hbm4b:s17+s3] =	stream.linear.scatter [tilespmem:s16], [sflag:$0x7], $0x80, $0x38;
	[tilespmem:$0x19E00] =	vst v63  }
0x1a2: {  	s16 =	smov.u32 s13;
	s13 =	smov.u32 s15  }
0x1a3: {  	s18 =	sadd.s32 $0x1100, s15;
	s13 =	sshra.s32 s13, $0x2;
	s17 =	sadd.s32 $0x15A00, s16  }
0x1a4: {  	[hbm4b:s14+s3] =	stream.linear.scatter [tilespmem:s17], [sflag:$0x7], $0x80, $0x38;
	[tilespmem:$0x19E00] =	vst v63  }
0x1a5: {  	p2 =	sne.s32 s15, $0x7700;
	s15 =	sadd.s32 $0x15A88, s16;
	s17 =	sadd.s32 $0x10, s14  }
0x1a6: {  	[hbm4b:s17+s3] =	stream.linear.scatter [tilespmem:s15], [sflag:$0x7], $0x80, $0x38;
	[tilespmem:$0x19E00] =	vst v63  }
0x1a7: {  	s15 =	sadd.s32 $0x15B10, s16;
	s17 =	sadd.s32 $0x20, s14  }
0x1a8: {  	[hbm4b:s17+s3] =	stream.linear.scatter [tilespmem:s15], [sflag:$0x7], $0x80, $0x38;
	[tilespmem:$0x19E00] =	vst v63  }
0x1a9: {  	s15 =	sadd.s32 $0x15B98, s16;
	s17 =	sadd.s32 $0x30, s14  }
0x1aa: {  	[hbm4b:s17+s3] =	stream.linear.scatter [tilespmem:s15], [sflag:$0x7], $0x80, $0x38;
	[tilespmem:$0x19E00] =	vst v63  }
0x1ab: {  	s15 =	sadd.s32 $0x15C20, s16;
	s17 =	sadd.s32 $0x40, s14  }
0x1ac: {  	[hbm4b:s17+s3] =	stream.linear.scatter [tilespmem:s15], [sflag:$0x7], $0x80, $0x38;
	[tilespmem:$0x19E00] =	vst v63  }
.Ltmp5:
0x1ad: {  	s15 =	sadd.s32 $0x15CA8, s16;
	s17 =	sadd.s32 $0x50, s14;
	(pc) =	sbr.rel @p2 .LBB2_13-.Ltmp5, $4  }
0x1ae: {  	[hbm4b:s17+s3] =	stream.linear.scatter [tilespmem:s15], [sflag:$0x7], $0x80, $0x38;
	[tilespmem:$0x19E00] =	vst v63  }
0x1af: {  	s15 =	sadd.s32 $0x15D30, s16;
	s17 =	sadd.s32 $0x60, s14;
	s16 =	sadd.s32 $0x15DB8, s16  }
0x1b0: {  	[hbm4b:s17+s3] =	stream.linear.scatter [tilespmem:s15], [sflag:$0x7], $0x80, $0x38;
	[tilespmem:$0x19E00] =	vst v63  }
0x1b1: {  	s17 =	sadd.s32 $0x70, s14;
	s14 =	sadd.s32 $0x1000, s14;
	s15 =	smov.u32 s18  }
0x1b2: {  	[hbm4b:s17+s3] =	stream.linear.scatter [tilespmem:s16], [sflag:$0x7], $0x80, $0x38;
	[tilespmem:$0x19E00] =	vst v63  }
0x1b3: {  	s15 =	sadd.s32 $0x15A00, s13  }
0x1b4: {  	[hbm4b:s14+s3] =	stream.linear.scatter [tilespmem:s15], [sflag:$0x7], $0x80, $0x38;
	[tilespmem:$0x19E00] =	vst v63  }
0x1b5: {  	s17 =	sadd.s32 $0x15A88, s13;
	s18 =	sadd.s32 $0x10, s14  }
0x1b6: {  	[hbm4b:s18+s3] =	stream.linear.scatter [tilespmem:s17], [sflag:$0x7], $0x80, $0x38;
	[tilespmem:$0x19E00] =	vst v63  }
0x1b7: {  	s17 =	sadd.s32 $0x15B10, s13;
	s18 =	sadd.s32 $0x20, s14  }
0x1b8: {  	[hbm4b:s18+s3] =	stream.linear.scatter [tilespmem:s17], [sflag:$0x7], $0x80, $0x38;
	[tilespmem:$0x19E00] =	vst v63  }
0x1b9: {  	s17 =	sadd.s32 $0x15B98, s13;
	s18 =	sadd.s32 $0x30, s14  }
0x1ba: {  	[hbm4b:s18+s3] =	stream.linear.scatter [tilespmem:s17], [sflag:$0x7], $0x80, $0x38;
	[tilespmem:$0x19E00] =	vst v63  }
0x1bb: {  	s17 =	sadd.s32 $0x15C20, s13;
	s18 =	sadd.s32 $0x40, s14  }
0x1bc: {  	[hbm4b:s18+s3] =	stream.linear.scatter [tilespmem:s17], [sflag:$0x7], $0x80, $0x38;
	[tilespmem:$0x19E00] =	vst v63  }
0x1bd: {  	s17 =	sadd.s32 $0x15CA8, s13;
	s18 =	sadd.s32 $0x50, s14  }
0x1be: {  	[hbm4b:s18+s3] =	stream.linear.scatter [tilespmem:s17], [sflag:$0x7], $0x80, $0x38;
	[tilespmem:$0x19E00] =	vst v63  }
0x1bf: {  	s17 =	sadd.s32 $0x15D30, s13;
	s18 =	sadd.s32 $0x60, s14  }
0x1c0: {  	[hbm4b:s18+s3] =	stream.linear.scatter [tilespmem:s17], [sflag:$0x7], $0x80, $0x38;
	[tilespmem:$0x19E00] =	vst v63  }
0x1c1: {  	s16 =	sadd.s32 $0x70, s14;
	s15 =	sadd.s32 $0x15DB8, s13  }
0x1c2: {  	[hbm4b:s16+s3] =	stream.linear.scatter [tilespmem:s15], [sflag:$0x7], $0x80, $0x38;
	[tilespmem:$0x19E00] =	vst v63  }
0x1c3: {  	_ =	swait.ge [sflag:s25], $0x2000  }
0x1c4: {  	[sflag:s25] =	ssyncset.done $0x0  }
0x1c5: {  	s13 =	simm.s32 @!p0 $0x8;
	[sflag:s25] =	ssyncadd.s32 $0xFFFFE000  }
0x1c6: {  	s12 =	sor.u32 $0x3, s12;
	_ =	swait.ge @!p0 [sflag:s13], $0x2000  }
0x1c7: {  	s17 =	sshll.u32 s12, $0x6;
	[sflag:s13] =	ssyncset.done @!p0 $0x0  }
0x1c8: {  	[sflag:s13] =	ssyncadd.s32 @!p0 $0xFFFFE000;
	s13 =	sand.u32 $0x3FFFFFC0, s17  }
0x1c9: {  	s18 =	simm.s32 $0x3;
	s16 =	simm.s32 $0xF6F0;
	v9 =	vld [tilespmem:s13+$0x6400]  }
0x1ca: {  	v4 =	vmov s18;
	v7 =	vld [tilespmem:s16+$0xFFFFFFD0]  }
0x1cb: {  	v13 =	vand.u32 $0x7F, v4  }
0x1cc: {  	s15 =	simm.s32 $0x0;
	v8 =	vadd.s32 v0, v13;
	v6 =	vld [tilespmem:s13+$0x6410]  }
0x1cd: {  	s18 =	simm.s32 $0x2;
	v4 =	vmov s15;
	s17 =	simm.s32 $0x1;
	v10 =	vld [tilespmem:s16+$0xFFFFFF10]  }
0x1ce: {  	v14 =	vmov s18;
	v12 =	vand.u32 $0x7C, v4;
	v4 =	vmov s17;
	v11 =	vld [tilespmem:s16+$0xFFFFFF50]  }
0x1cf: {  	v15 =	vadd.s32 v0, v12;
	v16 =	vld [tilespmem:s16+$0xFFFFFF90];
	v19 =	vand.u32 $0x7D, v4;
	v7 =	vadd.f32 v7, v9  }
0x1d0: {  	v20 =	vand.u32 $0x7E, v14;
	v5 =	vld [tilespmem:s13+$0x6420];
	v17 =	vadd.s32 v0, v19  }
0x1d1: {  	v14 =	vadd.s32 v0, v20;
	v4 =	vld [tilespmem:s13+$0x6430];
	[tilespmem:v8+s26+$0x0] =	vst.idx.msk $0xffff, v7  }
0x1d2: {  	v7 =	vadd.f32 v10, v9;
	v8 =	vld [tilespmem:s16+$0xFFFFFFE0]  }
0x1d3: {  	v10 =	vadd.f32 v11, v9  }
0x1d4: {  	v11 =	vadd.s32 v1, v13;
	[tilespmem:v15+s26+$0x0] =	vst.idx.msk $0xffff, v7;
	v7 =	vadd.f32 v16, v9  }
0x1d5: {  	[tilespmem:v17+s26+$0x0] =	vst.idx.msk $0xffff, v10;
	v15 =	vld [tilespmem:s16+$0xFFFFFF20]  }
0x1d6: {  	v10 =	vld [tilespmem:s16+$0xFFFFFF60];
	[tilespmem:v14+s26+$0x0] =	vst.idx.msk $0xffff, v7  }
0x1d7: {  	v14 =	vld [tilespmem:s16+$0xFFFFFFA0];
	v7 =	vadd.f32 v8, v6  }
0x1d8: {  	s18 =	simm.s32 $0x7;
	s13 =	simm.s32 $0xF7F0;
	v16 =	vadd.s32 v1, v19  }
0x1d9: {  	v26 =	vadd.s32 v2, v13;
	s17 =	simm.s32 $0x4;
	v18 =	vld [tilespmem:s13+$0xFFFFFFD0];
	v17 =	vadd.s32 v1, v20;
	[tilespmem:v11+s26+$0x0] =	vst.idx.msk $0xffff, v7;
	v7 =	vmov s18  }
0x1da: {  	v21 =	vadd.s32 v1, v12;
	v8 =	vmov s17;
	v7 =	vand.u32 $0x7F, v7;
	v22 =	vld [tilespmem:s16+$0xFFFFFFF0]  }
0x1db: {  	s15 =	simm.s32 $0x5;
	v23 =	vld [tilespmem:s13+$0xFFFFFF10];
	v8 =	vand.u32 $0x7C, v8;
	v10 =	vadd.f32 v10, v6;
	v24 =	vadd.s32 v0, v7  }
0x1dc: {  	v25 =	vld [tilespmem:s13+$0xFFFFFF50];
	s17 =	simm.s32 $0x6;
	v15 =	vadd.f32 v15, v6;
	v11 =	vadd.f32 v14, v6;
	v14 =	vmov s15  }
0x1dd: {  	v27 =	vadd.s32 v0, v8;
	[tilespmem:v16+s26+$0x0] =	vst.idx.msk $0xffff, v10;
	v16 =	vmov s17;
	v10 =	vand.u32 $0x7D, v14;
	v14 =	vld [tilespmem:s13+$0xFFFFFF90]  }
0x1de: {  	[tilespmem:v17+s26+$0x0] =	vst.idx.msk $0xffff, v11;
	v17 =	vadd.s32 v0, v10;
	v11 =	vand.u32 $0x7E, v16;
	v16 =	vadd.f32 v18, v9;
	v18 =	vld [tilespmem:s16+$0xFFFFFF70]  }
0x1df: {  	[tilespmem:v21+s26+$0x0] =	vst.idx.msk $0xffff, v15;
	v15 =	vadd.s32 v0, v11;
	v21 =	vld [tilespmem:s16+$0xFFFFFFB0];
	v22 =	vadd.f32 v22, v5  }
0x1e0: {  	v23 =	vadd.f32 v23, v9;
	[tilespmem:v24+s26+$0x0] =	vst.idx.msk $0xffff, v16;
	v16 =	vld [tilespmem:s16+$0xFFFFFF30];
	v24 =	vadd.s32 v2, v19  }
0x1e1: {  	v29 =	vadd.s32 v2, v20;
	v25 =	vadd.f32 v25, v9;
	v28 =	vld [tilespmem:s13+$0xFFFFFFE0];
	[tilespmem:v26+s26+$0x0] =	vst.idx.msk $0xffff, v22  }
0x1e2: {  	[tilespmem:v27+s26+$0x0] =	vst.idx.msk $0xffff, v23;
	v23 =	vadd.s32 v2, v12;
	v14 =	vadd.f32 v14, v9;
	v26 =	vld [tilespmem:s16+$0x0]  }
0x1e3: {  	v27 =	vld [tilespmem:s13+$0xFFFFFF20];
	[tilespmem:v17+s26+$0x0] =	vst.idx.msk $0xffff, v25;
	v25 =	vadd.s32 v1, v7;
	v18 =	vadd.f32 v18, v5  }
0x1e4: {  	v31 =	vadd.s32 v3, v13;
	v30 =	vld [tilespmem:s13+$0xFFFFFF60];
	[tilespmem:v15+s26+$0x0] =	vst.idx.msk $0xffff, v14;
	v14 =	vadd.f32 v21, v5  }
0x1e5: {  	v22 =	vadd.s32 v1, v8;
	v17 =	vld [tilespmem:s13+$0xFFFFFFA0];
	v13 =	vadd.f32 v16, v5;
	[tilespmem:v24+s26+$0x0] =	vst.idx.msk $0xffff, v18  }
0x1e6: {  	s15 =	simm.s32 $0x8;
	v21 =	vadd.s32 v1, v10;
	[tilespmem:v29+s26+$0x0] =	vst.idx.msk $0xffff, v14;
	v18 =	vadd.f32 v28, v6;
	v16 =	vld [tilespmem:s16+$0xFFFFFF80]  }
0x1e7: {  	v24 =	vmov s15;
	v14 =	vadd.s32 v1, v11;
	v15 =	vld [tilespmem:s16+$0xFFFFFFC0];
	[tilespmem:v23+s26+$0x0] =	vst.idx.msk $0xffff, v13;
	v63 =	vadd.f32 v26, v4  }
0x1e8: {  	s14 =	simm.s32 $0xF8F0;
	s18 =	simm.s32 $0xB;
	v19 =	vadd.s32 v3, v19;
	v13 =	vand.u32 $0x7C, v24;
	v24 =	vadd.f32 v27, v6;
	[tilespmem:v25+s26+$0x0] =	vst.idx.msk $0xffff, v18;
	v18 =	vld [tilespmem:s16+$0xFFFFFF40]  }
0x1e9: {  	v20 =	vadd.s32 v3, v20;
	v26 =	vmov s18;
	v23 =	vld [tilespmem:s14+$0xFFFFFFD0];
	s16 =	simm.s32 $0xC;
	v25 =	vadd.f32 v30, v6;
	[tilespmem:v31+s26+$0x0] =	vst.idx.msk $0xffff, v63  }
.LBB2_15:
0x1ea: {  	p0 =	slt.u32 s16, $0x7C;
	s17 =	sadd.s32 $0x1, s15;
	v26 =	vand.u32 $0x7F, v26;
	[tilespmem:v22+s26+$0x0] =	vst.idx.msk $0xffff, v24;
	v17 =	vadd.f32 v17, v6;
	v22 =	vld [tilespmem:s13+$0xFFFFFFF0];
	v24 =	vadd.s32 v3, v12  }
0x1eb: {  	v30 =	vmovc v11;
	v27 =	vld [tilespmem:s14+$0xFFFFFF10];
	v28 =	vmov s17;
	s17 =	sadd.s32 $0x2, s15;
	v29 =	vadd.s32 v0, v26;
	[tilespmem:v21+s26+$0x0] =	vst.idx.msk $0xffff, v25;
	v16 =	vadd.f32 v16, v4;
	s15 =	smov.u32 s16  }
0x1ec: {  	v12 =	vmovc v8;
	v21 =	vld [tilespmem:s14+$0xFFFFFF50];
	v11 =	vmov s17;
	[tilespmem:v14+s26+$0x0] =	vst.idx.msk $0xffff, v17;
	v14 =	vadd.s32 v2, v7;
	v15 =	vadd.f32 v15, v4  }
0x1ed: {  	v17 =	vadd.s32 v0, v13;
	v28 =	vand.u32 $0x7D, v28;
	v25 =	vld [tilespmem:s14+$0xFFFFFF90];
	v31 =	vadd.f32 v18, v4;
	[tilespmem:v19+s26+$0x0] =	vst.idx.msk $0xffff, v16  }
0x1ee: {  	v16 =	vadd.s32 v0, v28;
	v11 =	vand.u32 $0x7E, v11;
	v18 =	vadd.f32 v23, v9;
	v19 =	vld [tilespmem:s13+$0xFFFFFF70];
	[tilespmem:v20+s26+$0x0] =	vst.idx.msk $0xffff, v15  }
0x1ef: {  	v8 =	vmov v13;
	v15 =	vadd.s32 v0, v11;
	v20 =	vld [tilespmem:s13+$0xFFFFFFB0];
	v22 =	vadd.f32 v22, v5;
	[tilespmem:v24+s26+$0x0] =	vst.idx.msk $0xffff, v31  }
0x1f0: {  	v23 =	vadd.s32 v2, v10;
	v13 =	vadd.f32 v27, v9;
	[tilespmem:v29+s26+$0x0] =	vst.idx.msk $0xffff, v18;
	v18 =	vld [tilespmem:s13+$0xFFFFFF30]  }
0x1f1: {  	v27 =	vadd.s32 v2, v30;
	v21 =	vadd.f32 v21, v9;
	v24 =	vld [tilespmem:s14+$0xFFFFFFE0];
	[tilespmem:v14+s26+$0x0] =	vst.idx.msk $0xffff, v22  }
0x1f2: {  	[tilespmem:v17+s26+$0x0] =	vst.idx.msk $0xffff, v13;
	v13 =	vadd.f32 v25, v9;
	v25 =	vadd.s32 v2, v12;
	v29 =	vld [tilespmem:s13+$0x0]  }
0x1f3: {  	v32 =	vadd.s32 v1, v26;
	v31 =	vld [tilespmem:s14+$0xFFFFFF20];
	[tilespmem:v16+s26+$0x0] =	vst.idx.msk $0xffff, v21;
	v14 =	vadd.f32 v19, v5  }
0x1f4: {  	v34 =	vadd.s32 v3, v7;
	v7 =	vmov v26;
	v33 =	vld [tilespmem:s14+$0xFFFFFF60];
	[tilespmem:v15+s26+$0x0] =	vst.idx.msk $0xffff, v13;
	v13 =	vadd.f32 v20, v5  }
.Ltmp6:
0x1f5: {  	v22 =	vadd.s32 v1, v8;
	v17 =	vld [tilespmem:s14+$0xFFFFFFA0];
	v15 =	vadd.f32 v18, v5;
	[tilespmem:v23+s26+$0x0] =	vst.idx.msk $0xffff, v14;
	(pc) =	sbr.rel @p0 .LBB2_15-.Ltmp6, $4  }
0x1f6: {  	v21 =	vadd.s32 v1, v28;
	v18 =	vadd.f32 v24, v6;
	v16 =	vld [tilespmem:s13+$0xFFFFFF80];
	[tilespmem:v27+s26+$0x0] =	vst.idx.msk $0xffff, v13  }
0x1f7: {  	v14 =	vadd.s32 v1, v11;
	v13 =	vmov s16;
	[tilespmem:v25+s26+$0x0] =	vst.idx.msk $0xffff, v15;
	v15 =	vld [tilespmem:s13+$0xFFFFFFC0];
	v27 =	vadd.f32 v29, v4  }
0x1f8: {  	s17 =	sadd.s32 $0x3, s16;
	v19 =	vadd.s32 v3, v10;
	v13 =	vand.u32 $0x7C, v13;
	v24 =	vadd.f32 v31, v6;
	[tilespmem:v32+s26+$0x0] =	vst.idx.msk $0xffff, v18;
	v18 =	vld [tilespmem:s13+$0xFFFFFF40];
	s13 =	smov.u32 s14;
	s14 =	sadd.s32 $0x100, s14  }
0x1f9: {  	v26 =	vmov s17;
	v10 =	vmovc v28;
	v20 =	vadd.s32 v3, v30;
	s16 =	sadd.s32 $0x4, s16;
	v23 =	vld [tilespmem:s14+$0xFFFFFFD0];
	v25 =	vadd.f32 v33, v6;
	[tilespmem:v34+s26+$0x0] =	vst.idx.msk $0xffff, v27  }
0x1fa: {  	s16 =	sadd.s32 $0x1, s15  }
0x1fb: {  	v26 =	vand.u32 $0x7F, v26;
	v28 =	vld [tilespmem:s14+$0xFFFFFF50];
	v27 =	vmov s16;
	s16 =	sadd.s32 $0x2, s15  }
0x1fc: {  	v31 =	vld [tilespmem:s14+$0xFFFFFF90];
	v29 =	vadd.s32 v0, v26;
	v30 =	vmov s16;
	v27 =	vand.u32 $0x7D, v27  }
0x1fd: {  	v32 =	vld [tilespmem:s14+$0xFFFFFF10];
	v33 =	vadd.s32 v0, v27;
	v30 =	vand.u32 $0x7E, v30  }
0x1fe: {  	v34 =	vadd.s32 v0, v30  }
0x1ff: {  	[tilespmem:v22+s26+$0x0] =	vst.idx.msk $0xffff, v24;
	v44 =	vadd.s32 v0, v13;
	v23 =	vadd.f32 v23, v9  }
0x200: {  	[tilespmem:v21+s26+$0x0] =	vst.idx.msk $0xffff, v25;
	v45 =	vadd.f32 v28, v9  }
0x201: {  	v46 =	vadd.f32 v31, v9;
	[tilespmem:v29+s26+$0x0] =	vst.idx.msk $0xffff, v23  }
0x202: {  	v47 =	vadd.f32 v32, v9;
	v48 =	vld [tilespmem:s14+$0xFFFFFFE0];
	[tilespmem:v33+s26+$0x0] =	vst.idx.msk $0xffff, v45  }
0x203: {  	v17 =	vadd.f32 v17, v6;
	v12 =	vadd.s32 v3, v12;
	v21 =	vld [tilespmem:s14+$0xFFFFFF60];
	[tilespmem:v34+s26+$0x0] =	vst.idx.msk $0xffff, v46  }
0x204: {  	v16 =	vadd.f32 v16, v4;
	v49 =	vadd.s32 v1, v26;
	[tilespmem:v44+s26+$0x0] =	vst.idx.msk $0xffff, v47;
	v50 =	vld [tilespmem:s14+$0xFFFFFFA0]  }
0x205: {  	[tilespmem:v14+s26+$0x0] =	vst.idx.msk $0xffff, v17;
	v51 =	vadd.f32 v15, v4;
	v53 =	vadd.s32 v1, v27;
	v52 =	vld [tilespmem:s14+$0xFFFFFF20]  }
0x206: {  	v54 =	vld [tilespmem:s13+$0xFFFFFFF0];
	v18 =	vadd.f32 v18, v4;
	[tilespmem:v19+s26+$0x0] =	vst.idx.msk $0xffff, v16;
	v55 =	vadd.s32 v1, v30  }
0x207: {  	v57 =	vadd.s32 v1, v13;
	v60 =	vld [tilespmem:s13+$0xFFFFFFB0];
	[tilespmem:v20+s26+$0x0] =	vst.idx.msk $0xffff, v51;
	v58 =	vadd.f32 v48, v6  }
0x208: {  	v59 =	vadd.s32 v2, v7;
	v56 =	vld [tilespmem:s13+$0xFFFFFF70];
	[tilespmem:v12+s26+$0x0] =	vst.idx.msk $0xffff, v18;
	v61 =	vadd.f32 v21, v6  }
0x209: {  	v62 =	vld [tilespmem:s13+$0xFFFFFF30];
	v29 =	vadd.s32 v2, v11;
	[tilespmem:v49+s26+$0x0] =	vst.idx.msk $0xffff, v58;
	v28 =	vadd.f32 v50, v6  }
0x20a: {  	v63 =	vadd.s32 v2, v10;
	v31 =	vadd.f32 v52, v6;
	v32 =	vld [tilespmem:s14+$0xFFFFFFF0];
	[tilespmem:v53+s26+$0x0] =	vst.idx.msk $0xffff, v61  }
0x20b: {  	v33 =	vadd.f32 v54, v5;
	v34 =	vadd.s32 v2, v8;
	[tilespmem:v55+s26+$0x0] =	vst.idx.msk $0xffff, v28;
	v35 =	vld [tilespmem:s14+$0xFFFFFF70]  }
0x20c: {  	v37 =	vadd.s32 v2, v26;
	v39 =	vadd.f32 v60, v5;
	[tilespmem:v57+s26+$0x0] =	vst.idx.msk $0xffff, v31;
	v38 =	vld [tilespmem:s14+$0xFFFFFFB0]  }
0x20d: {  	v41 =	vadd.s32 v2, v27;
	v36 =	vadd.f32 v56, v5;
	[tilespmem:v59+s26+$0x0] =	vst.idx.msk $0xffff, v33;
	v40 =	vld [tilespmem:s14+$0xFFFFFF30]  }
0x20e: {  	v43 =	vadd.s32 v2, v30;
	v18 =	vadd.f32 v62, v5;
	v42 =	vld [tilespmem:s13+$0x0];
	[tilespmem:v29+s26+$0x0] =	vst.idx.msk $0xffff, v39  }
0x20f: {  	v45 =	vadd.s32 v2, v13;
	[tilespmem:v63+s26+$0x0] =	vst.idx.msk $0xffff, v36;
	v47 =	vld [tilespmem:s13+$0xFFFFFFC0];
	v44 =	vadd.f32 v32, v5  }
0x210: {  	v46 =	vadd.s32 v3, v7;
	v21 =	vld [tilespmem:s13+$0xFFFFFF80];
	[tilespmem:v34+s26+$0x0] =	vst.idx.msk $0xffff, v18;
	v9 =	vadd.f32 v35, v5  }
0x211: {  	v18 =	vld [tilespmem:s13+$0xFFFFFF40];
	v50 =	vadd.s32 v3, v11;
	[tilespmem:v37+s26+$0x0] =	vst.idx.msk $0xffff, v44;
	v49 =	vadd.f32 v38, v5  }
0x212: {  	v48 =	vadd.s32 v3, v10;
	v12 =	vld [tilespmem:s14+$0x0];
	v5 =	vadd.f32 v40, v5;
	[tilespmem:v41+s26+$0x0] =	vst.idx.msk $0xffff, v9  }
0x213: {  	v52 =	vadd.s32 v3, v8;
	v51 =	vadd.f32 v42, v4;
	v53 =	vld [tilespmem:s14+$0xFFFFFF80];
	[tilespmem:v43+s26+$0x0] =	vst.idx.msk $0xffff, v49  }
0x214: {  	v55 =	vadd.s32 v3, v26;
	v56 =	vadd.f32 v47, v4;
	[tilespmem:v45+s26+$0x0] =	vst.idx.msk $0xffff, v5;
	v5 =	vld [tilespmem:s14+$0xFFFFFFC0]  }
0x215: {  	v58 =	vadd.s32 v3, v27;
	[tilespmem:v46+s26+$0x0] =	vst.idx.msk $0xffff, v51;
	v54 =	vadd.f32 v21, v4;
	v57 =	vld [tilespmem:s14+$0xFFFFFF40]  }
0x216: {  	v60 =	vadd.s32 v3, v30;
	v59 =	vadd.f32 v18, v4;
	[tilespmem:v50+s26+$0x0] =	vst.idx.msk $0xffff, v56  }
0x217: {  	v62 =	vadd.s32 v3, v13;
	[tilespmem:v48+s26+$0x0] =	vst.idx.msk $0xffff, v54;
	v61 =	vadd.f32 v12, v4  }
0x218: {  	[tilespmem:v52+s26+$0x0] =	vst.idx.msk $0xffff, v59;
	v63 =	vadd.f32 v53, v4  }
0x219: {  	[tilespmem:v55+s26+$0x0] =	vst.idx.msk $0xffff, v61;
	v5 =	vadd.f32 v5, v4  }
0x21a: {  	v4 =	vadd.f32 v57, v4;
	[tilespmem:v58+s26+$0x0] =	vst.idx.msk $0xffff, v63  }
0x21b: {  	s10 =	sadd.s32 @!p1 $0x380, s10;
	[tilespmem:v60+s26+$0x0] =	vst.idx.msk $0xffff, v5  }
0x21c: {  	s17 =	sshll.u32 s12, $0x12;
	s13 =	simm.s32 @!p1 $0x80;
	s14 =	simm.s32 @!p1 $0xF600;
	[tilespmem:v62+s26+$0x0] =	vst.idx.msk $0xffff, v4  }
0x21d: {  	[tilespmem:s14], [sflag:$0x4] =	stream.indirect.gather @!p1 [hbm4b:s4+s13], $0x40, s10, s13, $0xb8;
	[tilespmem:$0x19E00] =	vst v63  }
0x21e: {  	s10 =	sor.u32 s7, s17  }
0x21f: {  	s10 =	sshrl.u32 s10, $0x3  }
0x220: {  	s18 =	simm.s32 $0x17C00;
	s12 =	sadd.s32 s2, s10  }
0x221: {  	[hbm4b:s12+s3] =	stream.linear.scatter [tilespmem:s18], [sflag:$0x8], $0x80, $0x38;
	[tilespmem:$0x19E00] =	vst v63  }
0x222: {  	s13 =	simm.s32 $0x17C88;
	s14 =	sadd.s32 $0x10, s12  }
0x223: {  	[hbm4b:s14+s3] =	stream.linear.scatter [tilespmem:s13], [sflag:$0x8], $0x80, $0x38;
	[tilespmem:$0x19E00] =	vst v63  }
0x224: {  	s15 =	simm.s32 $0x17D10;
	s17 =	simm.s32 $0x17D98;
	s16 =	sadd.s32 $0x20, s12  }
0x225: {  	[hbm4b:s16+s3] =	stream.linear.scatter [tilespmem:s15], [sflag:$0x8], $0x80, $0x38;
	[tilespmem:$0x19E00] =	vst v63  }
0x226: {  	s10 =	simm.s32 $0x440;
	s18 =	sadd.s32 $0x30, s12;
	s13 =	simm.s32 $0x17E20  }
0x227: {  	[hbm4b:s18+s3] =	stream.linear.scatter [tilespmem:s17], [sflag:$0x8], $0x80, $0x38;
	[tilespmem:$0x19E00] =	vst v63  }
0x228: {  	s14 =	sadd.s32 $0x40, s12;
	s15 =	simm.s32 $0x17EA8;
	s16 =	sadd.s32 $0x50, s12  }
0x229: {  	[hbm4b:s14+s3] =	stream.linear.scatter [tilespmem:s13], [sflag:$0x8], $0x80, $0x38;
	[tilespmem:$0x19E00] =	vst v63  }
0x22a: {  	s17 =	simm.s32 $0x17F30;
	s18 =	sadd.s32 $0x60, s12;
	s13 =	simm.s32 $0x2200  }
0x22b: {  	[hbm4b:s16+s3] =	stream.linear.scatter [tilespmem:s15], [sflag:$0x8], $0x80, $0x38;
	[tilespmem:$0x19E00] =	vst v63  }
0x22c: {  	s14 =	simm.s32 $0x17FB8;
	s15 =	sadd.s32 $0x70, s12;
	s12 =	sadd.s32 $0x1000, s12  }
0x22d: {  	[hbm4b:s18+s3] =	stream.linear.scatter [tilespmem:s17], [sflag:$0x8], $0x80, $0x38;
	[tilespmem:$0x19E00] =	vst v63  }
.LBB2_17:
0x22e: {  	[hbm4b:s15+s3] =	stream.linear.scatter [tilespmem:s14], [sflag:$0x8], $0x80, $0x38;
	[tilespmem:$0x19E00] =	vst v63  }
0x22f: {  	s14 =	smov.u32 s10;
	s10 =	smov.u32 s13  }
0x230: {  	s16 =	sadd.s32 $0x1100, s13;
	s10 =	sshra.s32 s10, $0x2;
	s15 =	sadd.s32 $0x17C00, s14  }
0x231: {  	[hbm4b:s12+s3] =	stream.linear.scatter [tilespmem:s15], [sflag:$0x8], $0x80, $0x38;
	[tilespmem:$0x19E00] =	vst v63  }
0x232: {  	p0 =	sne.s32 s13, $0x7700;
	s13 =	sadd.s32 $0x17C88, s14;
	s15 =	sadd.s32 $0x10, s12  }
0x233: {  	[hbm4b:s15+s3] =	stream.linear.scatter [tilespmem:s13], [sflag:$0x8], $0x80, $0x38;
	[tilespmem:$0x19E00] =	vst v63  }
0x234: {  	s13 =	sadd.s32 $0x17D10, s14;
	s15 =	sadd.s32 $0x20, s12  }
0x235: {  	[hbm4b:s15+s3] =	stream.linear.scatter [tilespmem:s13], [sflag:$0x8], $0x80, $0x38;
	[tilespmem:$0x19E00] =	vst v63  }
0x236: {  	s13 =	sadd.s32 $0x17D98, s14;
	s15 =	sadd.s32 $0x30, s12  }
0x237: {  	[hbm4b:s15+s3] =	stream.linear.scatter [tilespmem:s13], [sflag:$0x8], $0x80, $0x38;
	[tilespmem:$0x19E00] =	vst v63  }
0x238: {  	s13 =	sadd.s32 $0x17E20, s14;
	s15 =	sadd.s32 $0x40, s12  }
0x239: {  	[hbm4b:s15+s3] =	stream.linear.scatter [tilespmem:s13], [sflag:$0x8], $0x80, $0x38;
	[tilespmem:$0x19E00] =	vst v63  }
.Ltmp7:
0x23a: {  	s13 =	sadd.s32 $0x17EA8, s14;
	s15 =	sadd.s32 $0x50, s12;
	(pc) =	sbr.rel @p0 .LBB2_17-.Ltmp7, $4  }
0x23b: {  	[hbm4b:s15+s3] =	stream.linear.scatter [tilespmem:s13], [sflag:$0x8], $0x80, $0x38;
	[tilespmem:$0x19E00] =	vst v63  }
0x23c: {  	s13 =	sadd.s32 $0x17F30, s14;
	s15 =	sadd.s32 $0x60, s12;
	s14 =	sadd.s32 $0x17FB8, s14  }
0x23d: {  	[hbm4b:s15+s3] =	stream.linear.scatter [tilespmem:s13], [sflag:$0x8], $0x80, $0x38;
	[tilespmem:$0x19E00] =	vst v63  }
0x23e: {  	s15 =	sadd.s32 $0x70, s12;
	s12 =	sadd.s32 $0x1000, s12;
	s13 =	smov.u32 s16  }
0x23f: {  	[hbm4b:s15+s3] =	stream.linear.scatter [tilespmem:s14], [sflag:$0x8], $0x80, $0x38;
	[tilespmem:$0x19E00] =	vst v63  }
0x240: {  	s13 =	sadd.s32 $0x17C00, s10  }
0x241: {  	[hbm4b:s12+s3] =	stream.linear.scatter [tilespmem:s13], [sflag:$0x8], $0x80, $0x38;
	[tilespmem:$0x19E00] =	vst v63  }
0x242: {  	s17 =	sadd.s32 $0x17C88, s10;
	s18 =	sadd.s32 $0x10, s12  }
0x243: {  	[hbm4b:s18+s3] =	stream.linear.scatter [tilespmem:s17], [sflag:$0x8], $0x80, $0x38;
	[tilespmem:$0x19E00] =	vst v63  }
0x244: {  	s15 =	sadd.s32 $0x17D10, s10;
	s16 =	sadd.s32 $0x20, s12  }
0x245: {  	[hbm4b:s16+s3] =	stream.linear.scatter [tilespmem:s15], [sflag:$0x8], $0x80, $0x38;
	[tilespmem:$0x19E00] =	vst v63  }
0x246: {  	s17 =	sadd.s32 $0x17D98, s10;
	s18 =	sadd.s32 $0x30, s12  }
0x247: {  	[hbm4b:s18+s3] =	stream.linear.scatter [tilespmem:s17], [sflag:$0x8], $0x80, $0x38;
	[tilespmem:$0x19E00] =	vst v63  }
0x248: {  	s0 =	sadd.s32 $0x1, s0;
	s15 =	sadd.s32 $0x17E20, s10;
	s16 =	sadd.s32 $0x40, s12  }
0x249: {  	[hbm4b:s16+s3] =	stream.linear.scatter [tilespmem:s15], [sflag:$0x8], $0x80, $0x38;
	[tilespmem:$0x19E00] =	vst v63  }
0x24a: {  	p0 =	sne.s32 s0, $0x32;
	s17 =	sadd.s32 $0x17EA8, s10;
	s18 =	sadd.s32 $0x50, s12  }
0x24b: {  	[hbm4b:s18+s3] =	stream.linear.scatter [tilespmem:s17], [sflag:$0x8], $0x80, $0x38;
	[tilespmem:$0x19E00] =	vst v63  }
.Ltmp8:
0x24c: {  	_ = 	snop;
	(pc) =	sbr.rel @p0 .LBB2_2-.Ltmp8, $4  }
0x24d: {  	s15 =	sadd.s32 $0x17F30, s10;
	s16 =	sadd.s32 $0x60, s12  }
0x24e: {  	[hbm4b:s16+s3] =	stream.linear.scatter [tilespmem:s15], [sflag:$0x8], $0x80, $0x38;
	[tilespmem:$0x19E00] =	vst v63  }
0x24f: {  	s17 =	sadd.s32 $0x17FB8, s10;
	s18 =	sadd.s32 $0x70, s12  }
0x250: {  	[hbm4b:s18+s3] =	stream.linear.scatter [tilespmem:s17], [sflag:$0x8], $0x80, $0x38;
	[tilespmem:$0x19E00] =	vst v63  }
0x251: {  	_ =	swait.ge [sflag:s28], $0x2000  }
0x252: {  	[sflag:s28] =	ssyncset.done $0x0  }
0x253: {  	[sflag:s28] =	ssyncadd.s32 $0xFFFFE000  }
0x254: {  	_ =	swait.ge [sflag:s29], $0x2000  }
0x255: {  	[sflag:s29] =	ssyncset.done $0x0  }
0x256: {  	s1 =	sadd.s32 $0x1, s1;
	[sflag:s29] =	ssyncadd.s32 $0xFFFFE000  }
0x257: {  	p0 =	sne.s32 s1, s8;
	_ =	swait.ge [sflag:s30], $0x2000  }
.Ltmp9:
0x258: {  	[sflag:s30] =	ssyncset.done $0x0;
	(pc) =	sbr.rel @p0 .LBB2_1-.Ltmp9, $4  }
0x259: {  	[sflag:s30] =	ssyncadd.s32 $0xFFFFE000  }
0x25a: {  	_ =	swait.ge [sflag:s31], $0x2000  }
0x25b: {  	[sflag:s31] =	ssyncset.done $0x0  }
0x25c: {  	[sflag:s31] =	ssyncadd.s32 $0xFFFFE000  }
0x25d: {  	_ =	sfence.sel $0x180000  }
0x25e: {  	[bflag:$0x0] =	sbarrier.arrive $0xFFFF  }
0x25f: {  	_ =	strace $0x90000047  }
0x260: {  	s0 =	stileid.u32;
	[bflag:$0x2] =	sbarrier.arrive $0xFFFF  }
0x261: {  	p0 =	sne.s32 s0, $0x0;
	s0 =	rddreg [dreg:$0x2]  }
0x262: {  	s0 =	sadd.s32 @!p0 $0x100000, s0  }
0x263: {  	[sflag:s0] =	ssyncadd.tile.s32 @!p0 $0x1;
	_ =	shalt  }
.Lfunc_end2:
_tile_overlayer_lowered:
.L_overlay_start_2:
0x264: {  	(tag) =	ssettag $0x2  }
0x265: {  	s0 =	rddreg [dreg:$0x0];
	s2 =	stileid.u32  }
0x266: {  	s1 =	rddreg [dreg:$0x1];
	p0 =	sne.s32 s2, $0x0  }
0x267: {  	s3 =	rddreg [dreg:$0x2];
	[bflag:$0x3] =	sbarrier.arrive $0xFFFF;
	s2 =	simm.s32 @!p0 $0x1C09  }
0x268: {  	[timem:s3], [sflag:s2] =	dma.local @!p0 [hbm:s0], s1  }
0x269: {  	s0 =	simm.s32 @!p0 $0x9  }
0x26a: {  	_ =	swait.ge @!p0 [sflag:s0], s1  }
0x26b: {  	s1 =	ssub.s32 @!p0 $0x0, s1;
	[sflag:s0] =	ssyncset.done @!p0 $0x0  }
0x26c: {  	[sflag:s0] =	ssyncadd.s32 @!p0 s1  }
0x26d: {  	[bflag:$0x3] =	sbarrier.arrive $0xFFFF  }
0x26e: {  	_ =	shalt  }

</sc_bundles>
